<compile_context>
chip_gen: v7x
topology: tpu7x:2x2x1
jax: 0.10.2.dev20260603
libtpu: 0.0.44.dev20260713+nightly
codegen_flags: <defaults>
</compile_context>

<pallas_src>
import dataclasses
import functools

import jax
import jax.numpy as jnp
from jax import lax
from jax.experimental import pallas as pl
from jax.experimental.pallas import tpu as pltpu
from jax.experimental.pallas import tpu_sc as plsc

D_FEAT = 128
CHUNK = 128
GROUP = 4
LANES = 16
N_CORES = 2
N_SUBCORES = 16
N_WORKERS = N_CORES * N_SUBCORES


def _prep_body(x_ref, gw_ref, gb_ref, xs_ref, eg_ref):
    x = x_ref[...]
    g = jnp.sum(x * gw_ref[...], axis=1, keepdims=True) + gb_ref[0, 0]
    e = jnp.exp(g)
    xs_ref[...] = x * e
    eg_ref[...] = e


def _prep(x, gate_w, gate_b):
    n = x.shape[0]
    return pl.pallas_call(
        _prep_body,
        out_shape=[
            jax.ShapeDtypeStruct((n, D_FEAT), jnp.float32),
            jax.ShapeDtypeStruct((n, 1), jnp.float32),
        ],
        in_specs=[
            pl.BlockSpec((n, D_FEAT), lambda: (0, 0)),
            pl.BlockSpec((1, D_FEAT), lambda: (0, 0)),
            pl.BlockSpec(memory_space=pltpu.SMEM),
        ],
        out_specs=[
            pl.BlockSpec((n, D_FEAT), lambda: (0, 0)),
            pl.BlockSpec((n, 1), lambda: (0, 0)),
        ],
    )(x, gate_w, gate_b.reshape(1, 1))


def _post_body(u_ref, dp_ref, lw_ref, lb_ref, ow_ref, ob_ref, out_ref):
    n = out_ref.shape[0]
    s = u_ref[0, 0:n] + u_ref[1, 0:n]
    den_row = jnp.sum(dp_ref[...], axis=0, keepdims=True)
    den = jnp.transpose(den_row)[0:n]
    r = 1.0 / (den + 1e-16)
    a = s * r
    aggr = lax.dot_general(a, lw_ref[...], (((1,), (1,)), ((), ())),
                           preferred_element_type=jnp.float32)
    aggr = aggr + (den * r) * lb_ref[...]
    out = lax.dot_general(aggr, ow_ref[...], (((1,), (1,)), ((), ())),
                          preferred_element_type=jnp.float32)
    out_ref[...] = out + ob_ref[...]


def _post(parts, den_parts, lin_w, lin_b, out_w, out_b, n):
    n_acc = parts.shape[1]
    return pl.pallas_call(
        _post_body,
        out_shape=jax.ShapeDtypeStruct((n, D_FEAT), jnp.float32),
        in_specs=[
            pl.BlockSpec((2, n_acc, D_FEAT), lambda: (0, 0, 0)),
            pl.BlockSpec(den_parts.shape, lambda: (0, 0)),
            pl.BlockSpec((D_FEAT, D_FEAT), lambda: (0, 0)),
            pl.BlockSpec((1, D_FEAT), lambda: (0, 0)),
            pl.BlockSpec((D_FEAT, D_FEAT), lambda: (0, 0)),
            pl.BlockSpec((1, D_FEAT), lambda: (0, 0)),
        ],
        out_specs=pl.BlockSpec((n, D_FEAT), lambda: (0, 0)),
    )(parts, den_parts, lin_w, lin_b.reshape(1, D_FEAT), out_w,
      out_b.reshape(1, D_FEAT))


def _acc_rows_per_tile(n_nodes):
    return -(-((n_nodes + N_SUBCORES) // N_SUBCORES) // 8) * 8


def _zero_vec(ref, size):
    @pl.loop(0, size, step=LANES)
    def _(i):
        ref[pl.ds(i, LANES)] = jnp.zeros((LANES,), jnp.float32)


@functools.partial(jax.jit, static_argnames=("n_nodes",))
def _sc_segsum(xs, eg, col3d, row3d, *, n_nodes):
    total_groups = col3d.shape[0]
    rows_per_tile = _acc_rows_per_tile(n_nodes)
    n_acc = rows_per_tile * N_SUBCORES
    mesh = plsc.VectorSubcoreMesh(
        core_axis_name="c", subcore_axis_name="s",
        num_cores=N_CORES, num_subcores=N_SUBCORES)
    cp = pltpu.CompilerParams()
    if "needs_layout_passes" in pltpu.CompilerParams.__dataclass_fields__:
        cp = dataclasses.replace(cp, needs_layout_passes=False)

    @functools.partial(
        pl.kernel,
        compiler_params=cp,
        out_type=[
            jax.ShapeDtypeStruct((N_CORES, n_acc, D_FEAT), jnp.float32),
            jax.ShapeDtypeStruct((N_WORKERS, n_acc), jnp.float32),
        ],
        mesh=mesh,
        scratch_types=[
            pltpu.VMEM((GROUP, CHUNK), jnp.int32),
            pltpu.VMEM((GROUP, CHUNK), jnp.int32),
            pltpu.VMEM((CHUNK, D_FEAT), jnp.float32),
            pltpu.VMEM((n_nodes,), jnp.float32),
            pltpu.VMEM((n_acc,), jnp.float32),
            pltpu.VMEM_SHARED((n_acc, D_FEAT), jnp.float32),
            pltpu.SemaphoreType.DMA,
            pltpu.SemaphoreType.DMA,
        ],
    )
    def k(xs_hbm, eg_hbm, col_hbm, row_hbm, out_hbm, den_hbm,
          colbuf, rowbuf, rowsbuf, eg_v, den_v, acc, sem, sem2):
        cid = lax.axis_index("c")
        sid = lax.axis_index("s")
        wid = sid * N_CORES + cid

        pltpu.async_copy(eg_hbm, eg_v, sem2)

        @pl.loop(0, CHUNK)
        def _(i):
            for j in range(D_FEAT // LANES):
                rowsbuf[i, pl.ds(j * LANES, LANES)] = jnp.zeros(
                    (LANES,), jnp.float32)

        _zero_vec(den_v, n_acc)

        base = sid * rows_per_tile
        n_full = rows_per_tile // CHUNK
        rem = rows_per_tile % CHUNK
        for t in range(n_full):
            pltpu.sync_copy(rowsbuf, acc.at[pl.ds(base + t * CHUNK, CHUNK)])
        if rem:
            pltpu.sync_copy(rowsbuf.at[pl.ds(0, rem)],
                            acc.at[pl.ds(base + n_full * CHUNK, rem)])
        pltpu.make_async_copy(eg_hbm, eg_v, sem2).wait()
        plsc.subcore_barrier()

        @pl.loop(wid, total_groups, step=N_WORKERS)
        def _(p):
            pltpu.sync_copy(col_hbm.at[p], colbuf)
            pltpu.sync_copy(row_hbm.at[p], rowbuf)
            for half in range(GROUP):
                gather = pltpu.async_copy(
                    xs_hbm.at[colbuf.at[half]], rowsbuf, sem)
                for j in range(CHUNK // LANES):
                    colv = colbuf[half, pl.ds(j * LANES, LANES)]
                    rowv = rowbuf[half, pl.ds(j * LANES, LANES)]
                    w = plsc.load_gather(eg_v, [colv])
                    plsc.addupdate_scatter(den_v, [rowv], w)
                gather.wait()
                pltpu.sync_copy(rowsbuf, acc.at[rowbuf.at[half]], add=True)

        plsc.subcore_barrier()

        for t in range(n_full):
            pltpu.sync_copy(acc.at[pl.ds(base + t * CHUNK, CHUNK)],
                            out_hbm.at[cid, pl.ds(base + t * CHUNK, CHUNK)])
        if rem:
            pltpu.sync_copy(acc.at[pl.ds(base + n_full * CHUNK, rem)],
                            out_hbm.at[cid, pl.ds(base + n_full * CHUNK, rem)])
        pltpu.sync_copy(den_v, den_hbm.at[wid])

    return k(xs, eg, col3d, row3d)


def kernel(x, edge_index, batch, lin_w, lin_b, gate_w, gate_b, out_w, out_b):
    n = x.shape[0]
    e = edge_index.shape[1]
    assert n % LANES == 0
    n_chunks = GROUP * (-(-e // (GROUP * CHUNK)))
    e_pad = n_chunks * CHUNK
    row = edge_index[0].astype(jnp.int32)
    col = edge_index[1].astype(jnp.int32)
    if e_pad > e:
        row = jnp.concatenate(
            [row, jnp.full((e_pad - e,), n, dtype=jnp.int32)])
        col = jnp.concatenate(
            [col, jnp.zeros((e_pad - e,), dtype=jnp.int32)])
    row = row.reshape(n_chunks // GROUP, GROUP, CHUNK)
    col = col.reshape(n_chunks // GROUP, GROUP, CHUNK)
    xs, eg = _prep(x, gate_w, gate_b)
    parts, den_parts = _sc_segsum(xs, eg.reshape(n), col, row, n_nodes=n)
    return _post(parts, den_parts, lin_w, lin_b, out_w, out_b, n)

# --- scband reference (transcript-rebuilt; emitter-appended) ---
"""Pipeline reference for scband-custom-attention-layer-25271587570312 (READ-ONLY COPY).

The authoritative reference and input builder live on the scoring server;
editing this copy changes nothing except your own understanding.
"""

import jax, jax.numpy as jnp
import numpy as np

N_NODES = 10000
N_EDGES = 320000
D_IN = 128
D_OUT = 128


def setup_inputs(seed: int = 0) -> dict:
    key = jax.random.key(seed)
    ks = jax.random.split(key, 10)
    x = jax.random.normal(ks[0], (N_NODES, D_IN), dtype=jnp.float32)
    edge_index = jax.random.randint(ks[1], (2, N_EDGES), 0, N_NODES, dtype=jnp.int64)
    batch = jnp.sort(jax.random.randint(ks[2], (N_NODES,), 0, 16, dtype=jnp.int64))
    s_in = 1.0 / np.sqrt(D_IN)
    s_out = 1.0 / np.sqrt(D_OUT)
    lin_w = jax.random.uniform(ks[3], (D_OUT, D_IN), jnp.float32, -s_in, s_in)
    lin_b = jax.random.uniform(ks[4], (D_OUT,), jnp.float32, -s_in, s_in)
    gate_w = jax.random.uniform(ks[5], (1, D_IN), jnp.float32, -s_in, s_in)
    gate_b = jax.random.uniform(ks[6], (1,), jnp.float32, -s_in, s_in)
    out_w = jax.random.uniform(ks[7], (D_OUT, D_OUT), jnp.float32, -s_out, s_out)
    out_b = jax.random.uniform(ks[8], (D_OUT,), jnp.float32, -s_out, s_out)
    return {"x": x, "edge_index": edge_index, "batch": batch,
            "lin_w": lin_w, "lin_b": lin_b, "gate_w": gate_w, "gate_b": gate_b,
            "out_w": out_w, "out_b": out_b}


def reference(x, edge_index, batch, lin_w, lin_b, gate_w, gate_b, out_w, out_b):
    # batch is accepted but unused, matching the torch forward.
    row = edge_index[0]
    col = edge_index[1]
    N = x.shape[0]
    # gather messages from source nodes
    messages = jnp.take(x, col, axis=0)                      # [E, D_IN]
    # AttentionalAggregation: gate = gate_nn(messages), h = nn(messages)
    gate = messages @ gate_w.T + gate_b                      # [E, 1]
    h = messages @ lin_w.T + lin_b                           # [E, D_OUT]
    # segment softmax of gate over destination index `row` (PyG softmax)
    seg_max = jax.ops.segment_max(gate, row, num_segments=N) # [N, 1]
    gate_centered = gate - jnp.take(seg_max, row, axis=0)
    egate = jnp.exp(gate_centered)
    denom = jax.ops.segment_sum(egate, row, num_segments=N)  # [N, 1]
    attn = egate / (jnp.take(denom, row, axis=0) + 1e-16)    # [E, 1]
    # weighted scatter-add aggregation
    aggr = jax.ops.segment_sum(attn * h, row, num_segments=N)  # [N, D_OUT]
    # output projection
    return aggr @ out_w.T + out_b

if __name__ == "__main__":
    import jax
    _d = setup_inputs()
    print(jax.jit(kernel)(*tuple(_d.values())))

</pallas_src>

<mosaic_0001>
#map = affine_map<(d0, d1) -> (0, 0)>
#map1 = affine_map<(d0, d1) -> (0)>
#map2 = affine_map<(d0, d1) -> (0, 0, 0)>
module attributes {stable_mosaic.version = 14 : i64} {
  func.func @k(%arg0: i32, %arg1: i32, %arg2: memref<10000x128xf32, #tpu.memory_space<hbm>>, %arg3: memref<10000xf32, #tpu.memory_space<hbm>>, %arg4: memref<625x4x128xi32, #tpu.memory_space<hbm>>, %arg5: memref<625x4x128xi32, #tpu.memory_space<hbm>>, %arg6: memref<2x10112x128xf32, #tpu.memory_space<hbm>>, %arg7: memref<32x10112xf32, #tpu.memory_space<hbm>>, %arg8: memref<4x128xi32, #tpu.memory_space<vmem>>, %arg9: memref<4x128xi32, #tpu.memory_space<vmem>>, %arg10: memref<128x128xf32, #tpu.memory_space<vmem>>, %arg11: memref<10000xf32, #tpu.memory_space<vmem>>, %arg12: memref<10112xf32, #tpu.memory_space<vmem>>, %arg13: memref<10112x128xf32, #tpu.memory_space<vmem_shared>>, %arg14: memref<!tpu.dma_semaphore, #tpu.memory_space<semaphore_mem>>, %arg15: memref<!tpu.dma_semaphore, #tpu.memory_space<semaphore_mem>>) attributes {dimension_semantics = [#tpu.dimension_semantics<core_parallel>, #tpu.dimension_semantics<subcore_parallel>], iteration_bounds = array<i64: 2, 16>, scalar_prefetch = 0 : i64, scratch_operands = 8 : i64, tpu.core_type = #tpu.core_type<sc_vector_subcore>, window_params = [{transform_indices = #map}, {transform_indices = #map1}, {transform_indices = #map2}, {transform_indices = #map2}, {transform_indices = #map2}, {transform_indices = #map}]} {
    %mul3A = arith.constant 2 : i32
    %mul3A_0 = arith.muli %arg1, %mul3A : i32
    %add3A = arith.addi %mul3A_0, %arg0 : i32
    tpu.enqueue_dma source(%arg3 : memref<10000xf32, #tpu.memory_space<hbm>>) target(%arg11 : memref<10000xf32, #tpu.memory_space<vmem>>) target_semaphore(%arg15 : memref<!tpu.dma_semaphore, #tpu.memory_space<semaphore_mem>>)
    %scan3A = arith.constant 0 : i32
    %scan3A_1 = arith.constant 128 : i32
    %scan3A_2 = arith.addi %scan3A, %scan3A_1 : i32
    %scan3A_3 = arith.constant 1 : i32
    scf.for %scan3A_58 = %scan3A to %scan3A_2 step %scan3A_3  : i32 {
      %mul3A_59 = arith.constant 1 : i32
      %mul3A_60 = arith.muli %scan3A_58, %mul3A_59 : i32
      %add3A_61 = arith.constant 0 : i32
      %add3A_62 = arith.addi %add3A_61, %mul3A_60 : i32
      %broadcast_in_dim3A = arith.constant 0.000000e+00 : f32
      %broadcast_in_dim3A_63 = vector.broadcast %broadcast_in_dim3A : f32 to vector<16xf32>
      %swap3A = arith.index_cast %add3A_62 : i32 to index
      %swap3A_64 = arith.constant 0 : index
      %swap3A_65 = tpu.vector_load %arg10[%swap3A, %swap3A_64] {strides = array<i32>} : memref<128x128xf32, #tpu.memory_space<vmem>>, vector<16xf32>,
      tpu.vector_store %arg10[%swap3A, %swap3A_64], %broadcast_in_dim3A_63 {strides = array<i32>} : memref<128x128xf32, #tpu.memory_space<vmem>>, vector<16xf32>,
      %broadcast_in_dim3A_66 = arith.constant 0.000000e+00 : f32
      %broadcast_in_dim3A_67 = vector.broadcast %broadcast_in_dim3A_66 : f32 to vector<16xf32>
      %swap3A_68 = arith.index_cast %add3A_62 : i32 to index
      %swap3A_69 = arith.constant 16 : index
      %swap3A_70 = tpu.vector_load %arg10[%swap3A_68, %swap3A_69] {strides = array<i32>} : memref<128x128xf32, #tpu.memory_space<vmem>>, vector<16xf32>,
      tpu.vector_store %arg10[%swap3A_68, %swap3A_69], %broadcast_in_dim3A_67 {strides = array<i32>} : memref<128x128xf32, #tpu.memory_space<vmem>>, vector<16xf32>,
      %broadcast_in_dim3A_71 = arith.constant 0.000000e+00 : f32
      %broadcast_in_dim3A_72 = vector.broadcast %broadcast_in_dim3A_71 : f32 to vector<16xf32>
      %swap3A_73 = arith.index_cast %add3A_62 : i32 to index
      %swap3A_74 = arith.constant 32 : index
      %swap3A_75 = tpu.vector_load %arg10[%swap3A_73, %swap3A_74] {strides = array<i32>} : memref<128x128xf32, #tpu.memory_space<vmem>>, vector<16xf32>,
      tpu.vector_store %arg10[%swap3A_73, %swap3A_74], %broadcast_in_dim3A_72 {strides = array<i32>} : memref<128x128xf32, #tpu.memory_space<vmem>>, vector<16xf32>,
      %broadcast_in_dim3A_76 = arith.constant 0.000000e+00 : f32
      %broadcast_in_dim3A_77 = vector.broadcast %broadcast_in_dim3A_76 : f32 to vector<16xf32>
      %swap3A_78 = arith.index_cast %add3A_62 : i32 to index
      %swap3A_79 = arith.constant 48 : index
      %swap3A_80 = tpu.vector_load %arg10[%swap3A_78, %swap3A_79] {strides = array<i32>} : memref<128x128xf32, #tpu.memory_space<vmem>>, vector<16xf32>,
      tpu.vector_store %arg10[%swap3A_78, %swap3A_79], %broadcast_in_dim3A_77 {strides = array<i32>} : memref<128x128xf32, #tpu.memory_space<vmem>>, vector<16xf32>,
      %broadcast_in_dim3A_81 = arith.constant 0.000000e+00 : f32
      %broadcast_in_dim3A_82 = vector.broadcast %broadcast_in_dim3A_81 : f32 to vector<16xf32>
      %swap3A_83 = arith.index_cast %add3A_62 : i32 to index
      %swap3A_84 = arith.constant 64 : index
      %swap3A_85 = tpu.vector_load %arg10[%swap3A_83, %swap3A_84] {strides = array<i32>} : memref<128x128xf32, #tpu.memory_space<vmem>>, vector<16xf32>,
      tpu.vector_store %arg10[%swap3A_83, %swap3A_84], %broadcast_in_dim3A_82 {strides = array<i32>} : memref<128x128xf32, #tpu.memory_space<vmem>>, vector<16xf32>,
      %broadcast_in_dim3A_86 = arith.constant 0.000000e+00 : f32
      %broadcast_in_dim3A_87 = vector.broadcast %broadcast_in_dim3A_86 : f32 to vector<16xf32>
      %swap3A_88 = arith.index_cast %add3A_62 : i32 to index
      %swap3A_89 = arith.constant 80 : index
      %swap3A_90 = tpu.vector_load %arg10[%swap3A_88, %swap3A_89] {strides = array<i32>} : memref<128x128xf32, #tpu.memory_space<vmem>>, vector<16xf32>,
      tpu.vector_store %arg10[%swap3A_88, %swap3A_89], %broadcast_in_dim3A_87 {strides = array<i32>} : memref<128x128xf32, #tpu.memory_space<vmem>>, vector<16xf32>,
      %broadcast_in_dim3A_91 = arith.constant 0.000000e+00 : f32
      %broadcast_in_dim3A_92 = vector.broadcast %broadcast_in_dim3A_91 : f32 to vector<16xf32>
      %swap3A_93 = arith.index_cast %add3A_62 : i32 to index
      %swap3A_94 = arith.constant 96 : index
      %swap3A_95 = tpu.vector_load %arg10[%swap3A_93, %swap3A_94] {strides = array<i32>} : memref<128x128xf32, #tpu.memory_space<vmem>>, vector<16xf32>,
      tpu.vector_store %arg10[%swap3A_93, %swap3A_94], %broadcast_in_dim3A_92 {strides = array<i32>} : memref<128x128xf32, #tpu.memory_space<vmem>>, vector<16xf32>,
      %broadcast_in_dim3A_96 = arith.constant 0.000000e+00 : f32
      %broadcast_in_dim3A_97 = vector.broadcast %broadcast_in_dim3A_96 : f32 to vector<16xf32>
      %swap3A_98 = arith.index_cast %add3A_62 : i32 to index
      %swap3A_99 = arith.constant 112 : index
      %swap3A_100 = tpu.vector_load %arg10[%swap3A_98, %swap3A_99] {strides = array<i32>} : memref<128x128xf32, #tpu.memory_space<vmem>>, vector<16xf32>,
      tpu.vector_store %arg10[%swap3A_98, %swap3A_99], %broadcast_in_dim3A_97 {strides = array<i32>} : memref<128x128xf32, #tpu.memory_space<vmem>>, vector<16xf32>,
    }
    %scan3A_4 = arith.constant 128 : i32
    %scan3A_5 = arith.constant 0 : i32
    %scan3A_6 = arith.constant 632 : i32
    %scan3A_7 = arith.addi %scan3A_5, %scan3A_6 : i32
    %scan3A_8 = arith.constant 1 : i32
    scf.for %scan3A_58 = %scan3A_5 to %scan3A_7 step %scan3A_8  : i32 {
      %mul3A_59 = arith.constant 16 : i32
      %mul3A_60 = arith.muli %scan3A_58, %mul3A_59 : i32
      %add3A_61 = arith.constant 0 : i32
      %add3A_62 = arith.addi %add3A_61, %mul3A_60 : i32
      %broadcast_in_dim3A = arith.constant 0.000000e+00 : f32
      %broadcast_in_dim3A_63 = vector.broadcast %broadcast_in_dim3A : f32 to vector<16xf32>
      %swap3A = arith.index_cast %add3A_62 : i32 to index
      %swap3A_64 = tpu.vector_load %arg12[%swap3A] {strides = array<i32>} : memref<10112xf32, #tpu.memory_space<vmem>>, vector<16xf32>,
      tpu.vector_store %arg12[%swap3A], %broadcast_in_dim3A_63 {strides = array<i32>} : memref<10112xf32, #tpu.memory_space<vmem>>, vector<16xf32>,
    }
    %scan3A_9 = arith.constant 632 : i32
    %mul3A_10 = arith.constant 632 : i32
    %mul3A_11 = arith.muli %arg1, %mul3A_10 : i32
    %add3A_12 = arith.constant 0 : i32
    %add3A_13 = arith.addi %mul3A_11, %add3A_12 : i32
    "tpu.region"() ({
      %run_scoped3A = tpu.sem_alloc : memref<!tpu.dma_semaphore, #tpu.memory_space<semaphore_mem>>
      %dma_start3A = arith.constant 0 : i32
      %dma_start3A_58 = tpu.memref_slice %arg13[%add3A_13, %dma_start3A] : memref<10112x128xf32, #tpu.memory_space<vmem_shared>> -> memref<128x128xf32, #tpu.memory_space<vmem_shared>>
      %dma_start3A_59 = arith.constant 0 : i32
      %dma_start3A_60 = tpu.memref_slice %arg13[%add3A_13, %dma_start3A_59] : memref<10112x128xf32, #tpu.memory_space<vmem_shared>> -> memref<128x128xf32, #tpu.memory_space<vmem_shared>>
      tpu.enqueue_dma source(%arg10 : memref<128x128xf32, #tpu.memory_space<vmem>>) target(%dma_start3A_60 : memref<128x128xf32, #tpu.memory_space<vmem_shared>>) target_semaphore(%run_scoped3A : memref<!tpu.dma_semaphore, #tpu.memory_space<semaphore_mem>>)
      %dma_wait3A = arith.constant 0 : i32
      %dma_wait3A_61 = tpu.memref_slice %arg13[%add3A_13, %dma_wait3A] : memref<10112x128xf32, #tpu.memory_space<vmem_shared>> -> memref<128x128xf32, #tpu.memory_space<vmem_shared>>
      %dma_wait3A_62 = arith.constant 0 : i32
      %dma_wait3A_63 = tpu.memref_slice %arg13[%add3A_13, %dma_wait3A_62] : memref<10112x128xf32, #tpu.memory_space<vmem_shared>> -> memref<128x128xf32, #tpu.memory_space<vmem_shared>>
      tpu.wait_dma2 semaphore(%run_scoped3A : memref<!tpu.dma_semaphore, #tpu.memory_space<semaphore_mem>>) src(%arg10 : memref<128x128xf32, #tpu.memory_space<vmem>>) dst(%dma_wait3A_63 : memref<128x128xf32, #tpu.memory_space<vmem_shared>>)
      tpu.yield
    }) : () -> ()
    %add3A_14 = arith.constant 128 : i32
    %add3A_15 = arith.addi %mul3A_11, %add3A_14 : i32
    "tpu.region"() ({
      %run_scoped3A = tpu.sem_alloc : memref<!tpu.dma_semaphore, #tpu.memory_space<semaphore_mem>>
      %dma_start3A = arith.constant 0 : i32
      %dma_start3A_58 = tpu.memref_slice %arg13[%add3A_15, %dma_start3A] : memref<10112x128xf32, #tpu.memory_space<vmem_shared>> -> memref<128x128xf32, #tpu.memory_space<vmem_shared>>
      %dma_start3A_59 = arith.constant 0 : i32
      %dma_start3A_60 = tpu.memref_slice %arg13[%add3A_15, %dma_start3A_59] : memref<10112x128xf32, #tpu.memory_space<vmem_shared>> -> memref<128x128xf32, #tpu.memory_space<vmem_shared>>
      tpu.enqueue_dma source(%arg10 : memref<128x128xf32, #tpu.memory_space<vmem>>) target(%dma_start3A_60 : memref<128x128xf32, #tpu.memory_space<vmem_shared>>) target_semaphore(%run_scoped3A : memref<!tpu.dma_semaphore, #tpu.memory_space<semaphore_mem>>)
      %dma_wait3A = arith.constant 0 : i32
      %dma_wait3A_61 = tpu.memref_slice %arg13[%add3A_15, %dma_wait3A] : memref<10112x128xf32, #tpu.memory_space<vmem_shared>> -> memref<128x128xf32, #tpu.memory_space<vmem_shared>>
      %dma_wait3A_62 = arith.constant 0 : i32
      %dma_wait3A_63 = tpu.memref_slice %arg13[%add3A_15, %dma_wait3A_62] : memref<10112x128xf32, #tpu.memory_space<vmem_shared>> -> memref<128x128xf32, #tpu.memory_space<vmem_shared>>
      tpu.wait_dma2 semaphore(%run_scoped3A : memref<!tpu.dma_semaphore, #tpu.memory_space<semaphore_mem>>) src(%arg10 : memref<128x128xf32, #tpu.memory_space<vmem>>) dst(%dma_wait3A_63 : memref<128x128xf32, #tpu.memory_space<vmem_shared>>)
      tpu.yield
    }) : () -> ()
    %add3A_16 = arith.constant 256 : i32
    %add3A_17 = arith.addi %mul3A_11, %add3A_16 : i32
    "tpu.region"() ({
      %run_scoped3A = tpu.sem_alloc : memref<!tpu.dma_semaphore, #tpu.memory_space<semaphore_mem>>
      %dma_start3A = arith.constant 0 : i32
      %dma_start3A_58 = tpu.memref_slice %arg13[%add3A_17, %dma_start3A] : memref<10112x128xf32, #tpu.memory_space<vmem_shared>> -> memref<128x128xf32, #tpu.memory_space<vmem_shared>>
      %dma_start3A_59 = arith.constant 0 : i32
      %dma_start3A_60 = tpu.memref_slice %arg13[%add3A_17, %dma_start3A_59] : memref<10112x128xf32, #tpu.memory_space<vmem_shared>> -> memref<128x128xf32, #tpu.memory_space<vmem_shared>>
      tpu.enqueue_dma source(%arg10 : memref<128x128xf32, #tpu.memory_space<vmem>>) target(%dma_start3A_60 : memref<128x128xf32, #tpu.memory_space<vmem_shared>>) target_semaphore(%run_scoped3A : memref<!tpu.dma_semaphore, #tpu.memory_space<semaphore_mem>>)
      %dma_wait3A = arith.constant 0 : i32
      %dma_wait3A_61 = tpu.memref_slice %arg13[%add3A_17, %dma_wait3A] : memref<10112x128xf32, #tpu.memory_space<vmem_shared>> -> memref<128x128xf32, #tpu.memory_space<vmem_shared>>
      %dma_wait3A_62 = arith.constant 0 : i32
      %dma_wait3A_63 = tpu.memref_slice %arg13[%add3A_17, %dma_wait3A_62] : memref<10112x128xf32, #tpu.memory_space<vmem_shared>> -> memref<128x128xf32, #tpu.memory_space<vmem_shared>>
      tpu.wait_dma2 semaphore(%run_scoped3A : memref<!tpu.dma_semaphore, #tpu.memory_space<semaphore_mem>>) src(%arg10 : memref<128x128xf32, #tpu.memory_space<vmem>>) dst(%dma_wait3A_63 : memref<128x128xf32, #tpu.memory_space<vmem_shared>>)
      tpu.yield
    }) : () -> ()
    %add3A_18 = arith.constant 384 : i32
    %add3A_19 = arith.addi %mul3A_11, %add3A_18 : i32
    "tpu.region"() ({
      %run_scoped3A = tpu.sem_alloc : memref<!tpu.dma_semaphore, #tpu.memory_space<semaphore_mem>>
      %dma_start3A = arith.constant 0 : i32
      %dma_start3A_58 = tpu.memref_slice %arg13[%add3A_19, %dma_start3A] : memref<10112x128xf32, #tpu.memory_space<vmem_shared>> -> memref<128x128xf32, #tpu.memory_space<vmem_shared>>
      %dma_start3A_59 = arith.constant 0 : i32
      %dma_start3A_60 = tpu.memref_slice %arg13[%add3A_19, %dma_start3A_59] : memref<10112x128xf32, #tpu.memory_space<vmem_shared>> -> memref<128x128xf32, #tpu.memory_space<vmem_shared>>
      tpu.enqueue_dma source(%arg10 : memref<128x128xf32, #tpu.memory_space<vmem>>) target(%dma_start3A_60 : memref<128x128xf32, #tpu.memory_space<vmem_shared>>) target_semaphore(%run_scoped3A : memref<!tpu.dma_semaphore, #tpu.memory_space<semaphore_mem>>)
      %dma_wait3A = arith.constant 0 : i32
      %dma_wait3A_61 = tpu.memref_slice %arg13[%add3A_19, %dma_wait3A] : memref<10112x128xf32, #tpu.memory_space<vmem_shared>> -> memref<128x128xf32, #tpu.memory_space<vmem_shared>>
      %dma_wait3A_62 = arith.constant 0 : i32
      %dma_wait3A_63 = tpu.memref_slice %arg13[%add3A_19, %dma_wait3A_62] : memref<10112x128xf32, #tpu.memory_space<vmem_shared>> -> memref<128x128xf32, #tpu.memory_space<vmem_shared>>
      tpu.wait_dma2 semaphore(%run_scoped3A : memref<!tpu.dma_semaphore, #tpu.memory_space<semaphore_mem>>) src(%arg10 : memref<128x128xf32, #tpu.memory_space<vmem>>) dst(%dma_wait3A_63 : memref<128x128xf32, #tpu.memory_space<vmem_shared>>)
      tpu.yield
    }) : () -> ()
    %add3A_20 = arith.constant 512 : i32
    %add3A_21 = arith.addi %mul3A_11, %add3A_20 : i32
    "tpu.region"() ({
      %run_scoped3A = tpu.sem_alloc : memref<!tpu.dma_semaphore, #tpu.memory_space<semaphore_mem>>
      %dma_start3A = arith.constant 0 : i32
      %dma_start3A_58 = arith.constant 0 : i32
      %dma_start3A_59 = tpu.memref_slice %arg10[%dma_start3A, %dma_start3A_58] : memref<128x128xf32, #tpu.memory_space<vmem>> -> memref<120x128xf32, #tpu.memory_space<vmem>>
      %dma_start3A_60 = arith.constant 0 : i32
      %dma_start3A_61 = tpu.memref_slice %arg13[%add3A_21, %dma_start3A_60] : memref<10112x128xf32, #tpu.memory_space<vmem_shared>> -> memref<120x128xf32, #tpu.memory_space<vmem_shared>>
      %dma_start3A_62 = arith.constant 0 : i32
      %dma_start3A_63 = tpu.memref_slice %arg13[%add3A_21, %dma_start3A_62] : memref<10112x128xf32, #tpu.memory_space<vmem_shared>> -> memref<120x128xf32, #tpu.memory_space<vmem_shared>>
      %dma_start3A_64 = arith.constant 0 : i32
      %dma_start3A_65 = arith.constant 0 : i32
      %dma_start3A_66 = tpu.memref_slice %arg10[%dma_start3A_64, %dma_start3A_65] : memref<128x128xf32, #tpu.memory_space<vmem>> -> memref<120x128xf32, #tpu.memory_space<vmem>>
      tpu.enqueue_dma source(%dma_start3A_66 : memref<120x128xf32, #tpu.memory_space<vmem>>) target(%dma_start3A_63 : memref<120x128xf32, #tpu.memory_space<vmem_shared>>) target_semaphore(%run_scoped3A : memref<!tpu.dma_semaphore, #tpu.memory_space<semaphore_mem>>)
      %dma_wait3A = arith.constant 0 : i32
      %dma_wait3A_67 = arith.constant 0 : i32
      %dma_wait3A_68 = tpu.memref_slice %arg10[%dma_wait3A, %dma_wait3A_67] : memref<128x128xf32, #tpu.memory_space<vmem>> -> memref<120x128xf32, #tpu.memory_space<vmem>>
      %dma_wait3A_69 = arith.constant 0 : i32
      %dma_wait3A_70 = tpu.memref_slice %arg13[%add3A_21, %dma_wait3A_69] : memref<10112x128xf32, #tpu.memory_space<vmem_shared>> -> memref<120x128xf32, #tpu.memory_space<vmem_shared>>
      %dma_wait3A_71 = arith.constant 0 : i32
      %dma_wait3A_72 = tpu.memref_slice %arg13[%add3A_21, %dma_wait3A_71] : memref<10112x128xf32, #tpu.memory_space<vmem_shared>> -> memref<120x128xf32, #tpu.memory_space<vmem_shared>>
      %dma_wait3A_73 = arith.constant 0 : i32
      %dma_wait3A_74 = arith.constant 0 : i32
      %dma_wait3A_75 = tpu.memref_slice %arg10[%dma_wait3A_73, %dma_wait3A_74] : memref<128x128xf32, #tpu.memory_space<vmem>> -> memref<120x128xf32, #tpu.memory_space<vmem>>
      tpu.wait_dma2 semaphore(%run_scoped3A : memref<!tpu.dma_semaphore, #tpu.memory_space<semaphore_mem>>) src(%dma_wait3A_75 : memref<120x128xf32, #tpu.memory_space<vmem>>) dst(%dma_wait3A_72 : memref<120x128xf32, #tpu.memory_space<vmem_shared>>)
      tpu.yield
    }) : () -> ()
    tpu.wait_dma2 semaphore(%arg15 : memref<!tpu.dma_semaphore, #tpu.memory_space<semaphore_mem>>) src(%arg3 : memref<10000xf32, #tpu.memory_space<hbm>>) dst(%arg11 : memref<10000xf32, #tpu.memory_space<vmem>>)
    %barrier3A = arith.constant 0 : index
    tpu.barrier barrier_id(%barrier3A)
    %sub3A = arith.constant 625 : i32
    %sub3A_22 = arith.subi %sub3A, %add3A : i32
    %sub3A_23 = arith.constant 32 : i32
    %sub3A_24 = arith.constant 1 : i32
    %sub3A_25 = arith.subi %sub3A_23, %sub3A_24 : i32
    %add3A_26 = arith.addi %sub3A_22, %sub3A_25 : i32
    %div3A = arith.constant 32 : i32
    %div3A_27 = arith.divsi %add3A_26, %div3A : i32
    %while3A = arith.constant 32 : i32
    %while3A_28 = arith.constant 0 : i32
    %while3A_29 = arith.subi %div3A_27, %while3A_28 : i32
    %while3A_30 = arith.addi %while3A_28, %while3A_29 : i32
    %while3A_31 = arith.constant 1 : i32
    %while3A_32 = arith.divsi %while3A_29, %while3A_31 : i32
    %while3A_33 = arith.muli %while3A_32, %while3A_31 : i32
    %while3A_34 = arith.addi %while3A_28, %while3A_33 : i32
    %while3A_35 = arith.constant 1 : i32
    scf.for %while3A_58 = %while3A_28 to %while3A_34 step %while3A_35  : i32 {
      %mul3A_59 = arith.muli %while3A_58, %while3A : i32
      %add3A_60 = arith.addi %add3A, %mul3A_59 : i32
      "tpu.region"() ({
        %run_scoped3A_404 = tpu.sem_alloc : memref<!tpu.dma_semaphore, #tpu.memory_space<semaphore_mem>>
        %dma_start3A_405 = arith.constant 0 : i32
        %dma_start3A_406 = arith.constant 0 : i32
        %dma_start3A_407 = tpu.memref_slice %arg4[%add3A_60, %dma_start3A_405, %dma_start3A_406] : memref<625x4x128xi32, #tpu.memory_space<hbm>> -> memref<1x4x128xi32, #tpu.memory_space<hbm>>
        %dma_start3A_408 = tpu.memref_squeeze %dma_start3A_407 : memref<1x4x128xi32, #tpu.memory_space<hbm>> -> memref<4x128xi32, #tpu.memory_space<hbm>>
        %dma_start3A_409 = arith.constant 0 : i32
        %dma_start3A_410 = arith.constant 0 : i32
        %dma_start3A_411 = tpu.memref_slice %arg4[%add3A_60, %dma_start3A_409, %dma_start3A_410] : memref<625x4x128xi32, #tpu.memory_space<hbm>> -> memref<1x4x128xi32, #tpu.memory_space<hbm>>
        %dma_start3A_412 = tpu.memref_squeeze %dma_start3A_411 : memref<1x4x128xi32, #tpu.memory_space<hbm>> -> memref<4x128xi32, #tpu.memory_space<hbm>>
        tpu.enqueue_dma source(%dma_start3A_412 : memref<4x128xi32, #tpu.memory_space<hbm>>) target(%arg8 : memref<4x128xi32, #tpu.memory_space<vmem>>) target_semaphore(%run_scoped3A_404 : memref<!tpu.dma_semaphore, #tpu.memory_space<semaphore_mem>>)
        %dma_wait3A_413 = arith.constant 0 : i32
        %dma_wait3A_414 = arith.constant 0 : i32
        %dma_wait3A_415 = tpu.memref_slice %arg4[%add3A_60, %dma_wait3A_413, %dma_wait3A_414] : memref<625x4x128xi32, #tpu.memory_space<hbm>> -> memref<1x4x128xi32, #tpu.memory_space<hbm>>
        %dma_wait3A_416 = tpu.memref_squeeze %dma_wait3A_415 : memref<1x4x128xi32, #tpu.memory_space<hbm>> -> memref<4x128xi32, #tpu.memory_space<hbm>>
        %dma_wait3A_417 = arith.constant 0 : i32
        %dma_wait3A_418 = arith.constant 0 : i32
        %dma_wait3A_419 = tpu.memref_slice %arg4[%add3A_60, %dma_wait3A_417, %dma_wait3A_418] : memref<625x4x128xi32, #tpu.memory_space<hbm>> -> memref<1x4x128xi32, #tpu.memory_space<hbm>>
        %dma_wait3A_420 = tpu.memref_squeeze %dma_wait3A_419 : memref<1x4x128xi32, #tpu.memory_space<hbm>> -> memref<4x128xi32, #tpu.memory_space<hbm>>
        tpu.wait_dma2 semaphore(%run_scoped3A_404 : memref<!tpu.dma_semaphore, #tpu.memory_space<semaphore_mem>>) src(%dma_wait3A_420 : memref<4x128xi32, #tpu.memory_space<hbm>>) dst(%arg8 : memref<4x128xi32, #tpu.memory_space<vmem>>)
        tpu.yield
      }) : () -> ()
      "tpu.region"() ({
        %run_scoped3A_404 = tpu.sem_alloc : memref<!tpu.dma_semaphore, #tpu.memory_space<semaphore_mem>>
        %dma_start3A_405 = arith.constant 0 : i32
        %dma_start3A_406 = arith.constant 0 : i32
        %dma_start3A_407 = tpu.memref_slice %arg5[%add3A_60, %dma_start3A_405, %dma_start3A_406] : memref<625x4x128xi32, #tpu.memory_space<hbm>> -> memref<1x4x128xi32, #tpu.memory_space<hbm>>
        %dma_start3A_408 = tpu.memref_squeeze %dma_start3A_407 : memref<1x4x128xi32, #tpu.memory_space<hbm>> -> memref<4x128xi32, #tpu.memory_space<hbm>>
        %dma_start3A_409 = arith.constant 0 : i32
        %dma_start3A_410 = arith.constant 0 : i32
        %dma_start3A_411 = tpu.memref_slice %arg5[%add3A_60, %dma_start3A_409, %dma_start3A_410] : memref<625x4x128xi32, #tpu.memory_space<hbm>> -> memref<1x4x128xi32, #tpu.memory_space<hbm>>
        %dma_start3A_412 = tpu.memref_squeeze %dma_start3A_411 : memref<1x4x128xi32, #tpu.memory_space<hbm>> -> memref<4x128xi32, #tpu.memory_space<hbm>>
        tpu.enqueue_dma source(%dma_start3A_412 : memref<4x128xi32, #tpu.memory_space<hbm>>) target(%arg9 : memref<4x128xi32, #tpu.memory_space<vmem>>) target_semaphore(%run_scoped3A_404 : memref<!tpu.dma_semaphore, #tpu.memory_space<semaphore_mem>>)
        %dma_wait3A_413 = arith.constant 0 : i32
        %dma_wait3A_414 = arith.constant 0 : i32
        %dma_wait3A_415 = tpu.memref_slice %arg5[%add3A_60, %dma_wait3A_413, %dma_wait3A_414] : memref<625x4x128xi32, #tpu.memory_space<hbm>> -> memref<1x4x128xi32, #tpu.memory_space<hbm>>
        %dma_wait3A_416 = tpu.memref_squeeze %dma_wait3A_415 : memref<1x4x128xi32, #tpu.memory_space<hbm>> -> memref<4x128xi32, #tpu.memory_space<hbm>>
        %dma_wait3A_417 = arith.constant 0 : i32
        %dma_wait3A_418 = arith.constant 0 : i32
        %dma_wait3A_419 = tpu.memref_slice %arg5[%add3A_60, %dma_wait3A_417, %dma_wait3A_418] : memref<625x4x128xi32, #tpu.memory_space<hbm>> -> memref<1x4x128xi32, #tpu.memory_space<hbm>>
        %dma_wait3A_420 = tpu.memref_squeeze %dma_wait3A_419 : memref<1x4x128xi32, #tpu.memory_space<hbm>> -> memref<4x128xi32, #tpu.memory_space<hbm>>
        tpu.wait_dma2 semaphore(%run_scoped3A_404 : memref<!tpu.dma_semaphore, #tpu.memory_space<semaphore_mem>>) src(%dma_wait3A_420 : memref<4x128xi32, #tpu.memory_space<hbm>>) dst(%arg9 : memref<4x128xi32, #tpu.memory_space<vmem>>)
        tpu.yield
      }) : () -> ()
      %dma_start3A = arith.constant 0 : i32
      %dma_start3A_61 = arith.constant 0 : i32
      %dma_start3A_62 = tpu.memref_slice %arg8[%dma_start3A, %dma_start3A_61] : memref<4x128xi32, #tpu.memory_space<vmem>> -> memref<1x128xi32, #tpu.memory_space<vmem>>
      %dma_start3A_63 = tpu.memref_squeeze %dma_start3A_62 : memref<1x128xi32, #tpu.memory_space<vmem>> -> memref<128xi32, #tpu.memory_space<vmem>>
      %dma_start3A_64 = arith.constant 0 : i32
      %dma_start3A_65 = arith.constant 0 : i32
      %dma_start3A_66 = tpu.memref_slice %arg2[%dma_start3A_64, %dma_start3A_65] : memref<10000x128xf32, #tpu.memory_space<hbm>> -> memref<10000x128xf32, #tpu.memory_space<hbm>>
      tpu.enqueue_indirect_dma source(%dma_start3A_66 : memref<10000x128xf32, #tpu.memory_space<hbm>>) target(%arg10 : memref<128x128xf32, #tpu.memory_space<vmem>>) offsets(%dma_start3A_63 : memref<128xi32, #tpu.memory_space<vmem>>) semaphore(%arg14 : memref<!tpu.dma_semaphore, #tpu.memory_space<semaphore_mem>>)
      %get3A = arith.constant 0 : i32
      %get3A_67 = arith.index_cast %get3A : i32 to index
      %get3A_68 = arith.constant 0 : index
      %get3A_69 = tpu.vector_load %arg8[%get3A_67, %get3A_68] {strides = array<i32>} : memref<4x128xi32, #tpu.memory_space<vmem>>, vector<16xi32>,
      %get3A_70 = arith.constant 0 : i32
      %get3A_71 = arith.index_cast %get3A_70 : i32 to index
      %get3A_72 = arith.constant 0 : index
      %get3A_73 = tpu.vector_load %arg9[%get3A_71, %get3A_72] {strides = array<i32>} : memref<4x128xi32, #tpu.memory_space<vmem>>, vector<16xi32>,
      %gather3A = tpu.vector_load_idx %arg11[%get3A_69] : memref<10000xf32, #tpu.memory_space<vmem>>[vector<16xi32>], vector<16xf32>,
      tpu.vector_store_idx %arg12[%get3A_73], %gather3A {add = true} : memref<10112xf32, #tpu.memory_space<vmem>>[vector<16xi32>], vector<16xf32>,
      %get3A_74 = arith.constant 0 : i32
      %get3A_75 = arith.index_cast %get3A_74 : i32 to index
      %get3A_76 = arith.constant 16 : index
      %get3A_77 = tpu.vector_load %arg8[%get3A_75, %get3A_76] {strides = array<i32>} : memref<4x128xi32, #tpu.memory_space<vmem>>, vector<16xi32>,
      %get3A_78 = arith.constant 0 : i32
      %get3A_79 = arith.index_cast %get3A_78 : i32 to index
      %get3A_80 = arith.constant 16 : index
      %get3A_81 = tpu.vector_load %arg9[%get3A_79, %get3A_80] {strides = array<i32>} : memref<4x128xi32, #tpu.memory_space<vmem>>, vector<16xi32>,
      %gather3A_82 = tpu.vector_load_idx %arg11[%get3A_77] : memref<10000xf32, #tpu.memory_space<vmem>>[vector<16xi32>], vector<16xf32>,
      tpu.vector_store_idx %arg12[%get3A_81], %gather3A_82 {add = true} : memref<10112xf32, #tpu.memory_space<vmem>>[vector<16xi32>], vector<16xf32>,
      %get3A_83 = arith.constant 0 : i32
      %get3A_84 = arith.index_cast %get3A_83 : i32 to index
      %get3A_85 = arith.constant 32 : index
      %get3A_86 = tpu.vector_load %arg8[%get3A_84, %get3A_85] {strides = array<i32>} : memref<4x128xi32, #tpu.memory_space<vmem>>, vector<16xi32>,
      %get3A_87 = arith.constant 0 : i32
      %get3A_88 = arith.index_cast %get3A_87 : i32 to index
      %get3A_89 = arith.constant 32 : index
      %get3A_90 = tpu.vector_load %arg9[%get3A_88, %get3A_89] {strides = array<i32>} : memref<4x128xi32, #tpu.memory_space<vmem>>, vector<16xi32>,
      %gather3A_91 = tpu.vector_load_idx %arg11[%get3A_86] : memref<10000xf32, #tpu.memory_space<vmem>>[vector<16xi32>], vector<16xf32>,
      tpu.vector_store_idx %arg12[%get3A_90], %gather3A_91 {add = true} : memref<10112xf32, #tpu.memory_space<vmem>>[vector<16xi32>], vector<16xf32>,
      %get3A_92 = arith.constant 0 : i32
      %get3A_93 = arith.index_cast %get3A_92 : i32 to index
      %get3A_94 = arith.constant 48 : index
      %get3A_95 = tpu.vector_load %arg8[%get3A_93, %get3A_94] {strides = array<i32>} : memref<4x128xi32, #tpu.memory_space<vmem>>, vector<16xi32>,
      %get3A_96 = arith.constant 0 : i32
      %get3A_97 = arith.index_cast %get3A_96 : i32 to index
      %get3A_98 = arith.constant 48 : index
      %get3A_99 = tpu.vector_load %arg9[%get3A_97, %get3A_98] {strides = array<i32>} : memref<4x128xi32, #tpu.memory_space<vmem>>, vector<16xi32>,
      %gather3A_100 = tpu.vector_load_idx %arg11[%get3A_95] : memref<10000xf32, #tpu.memory_space<vmem>>[vector<16xi32>], vector<16xf32>,
      tpu.vector_store_idx %arg12[%get3A_99], %gather3A_100 {add = true} : memref<10112xf32, #tpu.memory_space<vmem>>[vector<16xi32>], vector<16xf32>,
      %get3A_101 = arith.constant 0 : i32
      %get3A_102 = arith.index_cast %get3A_101 : i32 to index
      %get3A_103 = arith.constant 64 : index
      %get3A_104 = tpu.vector_load %arg8[%get3A_102, %get3A_103] {strides = array<i32>} : memref<4x128xi32, #tpu.memory_space<vmem>>, vector<16xi32>,
      %get3A_105 = arith.constant 0 : i32
      %get3A_106 = arith.index_cast %get3A_105 : i32 to index
      %get3A_107 = arith.constant 64 : index
      %get3A_108 = tpu.vector_load %arg9[%get3A_106, %get3A_107] {strides = array<i32>} : memref<4x128xi32, #tpu.memory_space<vmem>>, vector<16xi32>,
      %gather3A_109 = tpu.vector_load_idx %arg11[%get3A_104] : memref<10000xf32, #tpu.memory_space<vmem>>[vector<16xi32>], vector<16xf32>,
      tpu.vector_store_idx %arg12[%get3A_108], %gather3A_109 {add = true} : memref<10112xf32, #tpu.memory_space<vmem>>[vector<16xi32>], vector<16xf32>,
      %get3A_110 = arith.constant 0 : i32
      %get3A_111 = arith.index_cast %get3A_110 : i32 to index
      %get3A_112 = arith.constant 80 : index
      %get3A_113 = tpu.vector_load %arg8[%get3A_111, %get3A_112] {strides = array<i32>} : memref<4x128xi32, #tpu.memory_space<vmem>>, vector<16xi32>,
      %get3A_114 = arith.constant 0 : i32
      %get3A_115 = arith.index_cast %get3A_114 : i32 to index
      %get3A_116 = arith.constant 80 : index
      %get3A_117 = tpu.vector_load %arg9[%get3A_115, %get3A_116] {strides = array<i32>} : memref<4x128xi32, #tpu.memory_space<vmem>>, vector<16xi32>,
      %gather3A_118 = tpu.vector_load_idx %arg11[%get3A_113] : memref<10000xf32, #tpu.memory_space<vmem>>[vector<16xi32>], vector<16xf32>,
      tpu.vector_store_idx %arg12[%get3A_117], %gather3A_118 {add = true} : memref<10112xf32, #tpu.memory_space<vmem>>[vector<16xi32>], vector<16xf32>,
      %get3A_119 = arith.constant 0 : i32
      %get3A_120 = arith.index_cast %get3A_119 : i32 to index
      %get3A_121 = arith.constant 96 : index
      %get3A_122 = tpu.vector_load %arg8[%get3A_120, %get3A_121] {strides = array<i32>} : memref<4x128xi32, #tpu.memory_space<vmem>>, vector<16xi32>,
      %get3A_123 = arith.constant 0 : i32
      %get3A_124 = arith.index_cast %get3A_123 : i32 to index
      %get3A_125 = arith.constant 96 : index
      %get3A_126 = tpu.vector_load %arg9[%get3A_124, %get3A_125] {strides = array<i32>} : memref<4x128xi32, #tpu.memory_space<vmem>>, vector<16xi32>,
      %gather3A_127 = tpu.vector_load_idx %arg11[%get3A_122] : memref<10000xf32, #tpu.memory_space<vmem>>[vector<16xi32>], vector<16xf32>,
      tpu.vector_store_idx %arg12[%get3A_126], %gather3A_127 {add = true} : memref<10112xf32, #tpu.memory_space<vmem>>[vector<16xi32>], vector<16xf32>,
      %get3A_128 = arith.constant 0 : i32
      %get3A_129 = arith.index_cast %get3A_128 : i32 to index
      %get3A_130 = arith.constant 112 : index
      %get3A_131 = tpu.vector_load %arg8[%get3A_129, %get3A_130] {strides = array<i32>} : memref<4x128xi32, #tpu.memory_space<vmem>>, vector<16xi32>,
      %get3A_132 = arith.constant 0 : i32
      %get3A_133 = arith.index_cast %get3A_132 : i32 to index
      %get3A_134 = arith.constant 112 : index
      %get3A_135 = tpu.vector_load %arg9[%get3A_133, %get3A_134] {strides = array<i32>} : memref<4x128xi32, #tpu.memory_space<vmem>>, vector<16xi32>,
      %gather3A_136 = tpu.vector_load_idx %arg11[%get3A_131] : memref<10000xf32, #tpu.memory_space<vmem>>[vector<16xi32>], vector<16xf32>,
      tpu.vector_store_idx %arg12[%get3A_135], %gather3A_136 {add = true} : memref<10112xf32, #tpu.memory_space<vmem>>[vector<16xi32>], vector<16xf32>,
      %dma_wait3A = arith.constant 0 : i32
      %dma_wait3A_137 = arith.constant 0 : i32
      %dma_wait3A_138 = tpu.memref_slice %arg8[%dma_wait3A, %dma_wait3A_137] : memref<4x128xi32, #tpu.memory_space<vmem>> -> memref<1x128xi32, #tpu.memory_space<vmem>>
      %dma_wait3A_139 = tpu.memref_squeeze %dma_wait3A_138 : memref<1x128xi32, #tpu.memory_space<vmem>> -> memref<128xi32, #tpu.memory_space<vmem>>
      %dma_wait3A_140 = arith.constant 0 : i32
      %dma_wait3A_141 = arith.constant 0 : i32
      %dma_wait3A_142 = tpu.memref_slice %arg2[%dma_wait3A_140, %dma_wait3A_141] : memref<10000x128xf32, #tpu.memory_space<hbm>> -> memref<10000x128xf32, #tpu.memory_space<hbm>>
      tpu.wait_indirect_dma semaphore(%arg14 : memref<!tpu.dma_semaphore, #tpu.memory_space<semaphore_mem>>) src(%dma_wait3A_142 : memref<10000x128xf32, #tpu.memory_space<hbm>>) dst(%arg10 : memref<128x128xf32, #tpu.memory_space<vmem>>)
      %run_scoped3A = arith.constant 0 : i32
      "tpu.region"() ({
        %run_scoped3A_404 = tpu.sem_alloc : memref<!tpu.dma_semaphore, #tpu.memory_space<semaphore_mem>>
        %dma_start3A_405 = arith.constant 0 : i32
        %dma_start3A_406 = tpu.memref_slice %arg9[%run_scoped3A, %dma_start3A_405] : memref<4x128xi32, #tpu.memory_space<vmem>> -> memref<1x128xi32, #tpu.memory_space<vmem>>
        %dma_start3A_407 = tpu.memref_squeeze %dma_start3A_406 : memref<1x128xi32, #tpu.memory_space<vmem>> -> memref<128xi32, #tpu.memory_space<vmem>>
        %dma_start3A_408 = arith.constant 0 : i32
        %dma_start3A_409 = arith.constant 0 : i32
        %dma_start3A_410 = tpu.memref_slice %arg13[%dma_start3A_408, %dma_start3A_409] : memref<10112x128xf32, #tpu.memory_space<vmem_shared>> -> memref<10112x128xf32, #tpu.memory_space<vmem_shared>>
        tpu.enqueue_indirect_dma source(%arg10 : memref<128x128xf32, #tpu.memory_space<vmem>>) target(%dma_start3A_410 : memref<10112x128xf32, #tpu.memory_space<vmem_shared>>) offsets(%dma_start3A_407 : memref<128xi32, #tpu.memory_space<vmem>>) semaphore(%run_scoped3A_404 : memref<!tpu.dma_semaphore, #tpu.memory_space<semaphore_mem>>) {add = true}
        %dma_wait3A_411 = arith.constant 0 : i32
        %dma_wait3A_412 = tpu.memref_slice %arg9[%run_scoped3A, %dma_wait3A_411] : memref<4x128xi32, #tpu.memory_space<vmem>> -> memref<1x128xi32, #tpu.memory_space<vmem>>
        %dma_wait3A_413 = tpu.memref_squeeze %dma_wait3A_412 : memref<1x128xi32, #tpu.memory_space<vmem>> -> memref<128xi32, #tpu.memory_space<vmem>>
        %dma_wait3A_414 = arith.constant 0 : i32
        %dma_wait3A_415 = arith.constant 0 : i32
        %dma_wait3A_416 = tpu.memref_slice %arg13[%dma_wait3A_414, %dma_wait3A_415] : memref<10112x128xf32, #tpu.memory_space<vmem_shared>> -> memref<10112x128xf32, #tpu.memory_space<vmem_shared>>
        tpu.wait_indirect_dma semaphore(%run_scoped3A_404 : memref<!tpu.dma_semaphore, #tpu.memory_space<semaphore_mem>>) src(%arg10 : memref<128x128xf32, #tpu.memory_space<vmem>>) dst(%dma_wait3A_416 : memref<10112x128xf32, #tpu.memory_space<vmem_shared>>)
        tpu.yield
      }) : () -> ()
      %dma_start3A_143 = arith.constant 1 : i32
      %dma_start3A_144 = arith.constant 0 : i32
      %dma_start3A_145 = tpu.memref_slice %arg8[%dma_start3A_143, %dma_start3A_144] : memref<4x128xi32, #tpu.memory_space<vmem>> -> memref<1x128xi32, #tpu.memory_space<vmem>>
      %dma_start3A_146 = tpu.memref_squeeze %dma_start3A_145 : memref<1x128xi32, #tpu.memory_space<vmem>> -> memref<128xi32, #tpu.memory_space<vmem>>
      %dma_start3A_147 = arith.constant 0 : i32
      %dma_start3A_148 = arith.constant 0 : i32
      %dma_start3A_149 = tpu.memref_slice %arg2[%dma_start3A_147, %dma_start3A_148] : memref<10000x128xf32, #tpu.memory_space<hbm>> -> memref<10000x128xf32, #tpu.memory_space<hbm>>
      tpu.enqueue_indirect_dma source(%dma_start3A_149 : memref<10000x128xf32, #tpu.memory_space<hbm>>) target(%arg10 : memref<128x128xf32, #tpu.memory_space<vmem>>) offsets(%dma_start3A_146 : memref<128xi32, #tpu.memory_space<vmem>>) semaphore(%arg14 : memref<!tpu.dma_semaphore, #tpu.memory_space<semaphore_mem>>)
      %get3A_150 = arith.constant 1 : i32
      %get3A_151 = arith.index_cast %get3A_150 : i32 to index
      %get3A_152 = arith.constant 0 : index
      %get3A_153 = tpu.vector_load %arg8[%get3A_151, %get3A_152] {strides = array<i32>} : memref<4x128xi32, #tpu.memory_space<vmem>>, vector<16xi32>,
      %get3A_154 = arith.constant 1 : i32
      %get3A_155 = arith.index_cast %get3A_154 : i32 to index
      %get3A_156 = arith.constant 0 : index
      %get3A_157 = tpu.vector_load %arg9[%get3A_155, %get3A_156] {strides = array<i32>} : memref<4x128xi32, #tpu.memory_space<vmem>>, vector<16xi32>,
      %gather3A_158 = tpu.vector_load_idx %arg11[%get3A_153] : memref<10000xf32, #tpu.memory_space<vmem>>[vector<16xi32>], vector<16xf32>,
      tpu.vector_store_idx %arg12[%get3A_157], %gather3A_158 {add = true} : memref<10112xf32, #tpu.memory_space<vmem>>[vector<16xi32>], vector<16xf32>,
      %get3A_159 = arith.constant 1 : i32
      %get3A_160 = arith.index_cast %get3A_159 : i32 to index
      %get3A_161 = arith.constant 16 : index
      %get3A_162 = tpu.vector_load %arg8[%get3A_160, %get3A_161] {strides = array<i32>} : memref<4x128xi32, #tpu.memory_space<vmem>>, vector<16xi32>,
      %get3A_163 = arith.constant 1 : i32
      %get3A_164 = arith.index_cast %get3A_163 : i32 to index
      %get3A_165 = arith.constant 16 : index
      %get3A_166 = tpu.vector_load %arg9[%get3A_164, %get3A_165] {strides = array<i32>} : memref<4x128xi32, #tpu.memory_space<vmem>>, vector<16xi32>,
      %gather3A_167 = tpu.vector_load_idx %arg11[%get3A_162] : memref<10000xf32, #tpu.memory_space<vmem>>[vector<16xi32>], vector<16xf32>,
      tpu.vector_store_idx %arg12[%get3A_166], %gather3A_167 {add = true} : memref<10112xf32, #tpu.memory_space<vmem>>[vector<16xi32>], vector<16xf32>,
      %get3A_168 = arith.constant 1 : i32
      %get3A_169 = arith.index_cast %get3A_168 : i32 to index
      %get3A_170 = arith.constant 32 : index
      %get3A_171 = tpu.vector_load %arg8[%get3A_169, %get3A_170] {strides = array<i32>} : memref<4x128xi32, #tpu.memory_space<vmem>>, vector<16xi32>,
      %get3A_172 = arith.constant 1 : i32
      %get3A_173 = arith.index_cast %get3A_172 : i32 to index
      %get3A_174 = arith.constant 32 : index
      %get3A_175 = tpu.vector_load %arg9[%get3A_173, %get3A_174] {strides = array<i32>} : memref<4x128xi32, #tpu.memory_space<vmem>>, vector<16xi32>,
      %gather3A_176 = tpu.vector_load_idx %arg11[%get3A_171] : memref<10000xf32, #tpu.memory_space<vmem>>[vector<16xi32>], vector<16xf32>,
      tpu.vector_store_idx %arg12[%get3A_175], %gather3A_176 {add = true} : memref<10112xf32, #tpu.memory_space<vmem>>[vector<16xi32>], vector<16xf32>,
      %get3A_177 = arith.constant 1 : i32
      %get3A_178 = arith.index_cast %get3A_177 : i32 to index
      %get3A_179 = arith.constant 48 : index
      %get3A_180 = tpu.vector_load %arg8[%get3A_178, %get3A_179] {strides = array<i32>} : memref<4x128xi32, #tpu.memory_space<vmem>>, vector<16xi32>,
      %get3A_181 = arith.constant 1 : i32
      %get3A_182 = arith.index_cast %get3A_181 : i32 to index
      %get3A_183 = arith.constant 48 : index
      %get3A_184 = tpu.vector_load %arg9[%get3A_182, %get3A_183] {strides = array<i32>} : memref<4x128xi32, #tpu.memory_space<vmem>>, vector<16xi32>,
      %gather3A_185 = tpu.vector_load_idx %arg11[%get3A_180] : memref<10000xf32, #tpu.memory_space<vmem>>[vector<16xi32>], vector<16xf32>,
      tpu.vector_store_idx %arg12[%get3A_184], %gather3A_185 {add = true} : memref<10112xf32, #tpu.memory_space<vmem>>[vector<16xi32>], vector<16xf32>,
      %get3A_186 = arith.constant 1 : i32
      %get3A_187 = arith.index_cast %get3A_186 : i32 to index
      %get3A_188 = arith.constant 64 : index
      %get3A_189 = tpu.vector_load %arg8[%get3A_187, %get3A_188] {strides = array<i32>} : memref<4x128xi32, #tpu.memory_space<vmem>>, vector<16xi32>,
      %get3A_190 = arith.constant 1 : i32
      %get3A_191 = arith.index_cast %get3A_190 : i32 to index
      %get3A_192 = arith.constant 64 : index
      %get3A_193 = tpu.vector_load %arg9[%get3A_191, %get3A_192] {strides = array<i32>} : memref<4x128xi32, #tpu.memory_space<vmem>>, vector<16xi32>,
      %gather3A_194 = tpu.vector_load_idx %arg11[%get3A_189] : memref<10000xf32, #tpu.memory_space<vmem>>[vector<16xi32>], vector<16xf32>,
      tpu.vector_store_idx %arg12[%get3A_193], %gather3A_194 {add = true} : memref<10112xf32, #tpu.memory_space<vmem>>[vector<16xi32>], vector<16xf32>,
      %get3A_195 = arith.constant 1 : i32
      %get3A_196 = arith.index_cast %get3A_195 : i32 to index
      %get3A_197 = arith.constant 80 : index
      %get3A_198 = tpu.vector_load %arg8[%get3A_196, %get3A_197] {strides = array<i32>} : memref<4x128xi32, #tpu.memory_space<vmem>>, vector<16xi32>,
      %get3A_199 = arith.constant 1 : i32
      %get3A_200 = arith.index_cast %get3A_199 : i32 to index
      %get3A_201 = arith.constant 80 : index
      %get3A_202 = tpu.vector_load %arg9[%get3A_200, %get3A_201] {strides = array<i32>} : memref<4x128xi32, #tpu.memory_space<vmem>>, vector<16xi32>,
      %gather3A_203 = tpu.vector_load_idx %arg11[%get3A_198] : memref<10000xf32, #tpu.memory_space<vmem>>[vector<16xi32>], vector<16xf32>,
      tpu.vector_store_idx %arg12[%get3A_202], %gather3A_203 {add = true} : memref<10112xf32, #tpu.memory_space<vmem>>[vector<16xi32>], vector<16xf32>,
      %get3A_204 = arith.constant 1 : i32
      %get3A_205 = arith.index_cast %get3A_204 : i32 to index
      %get3A_206 = arith.constant 96 : index
      %get3A_207 = tpu.vector_load %arg8[%get3A_205, %get3A_206] {strides = array<i32>} : memref<4x128xi32, #tpu.memory_space<vmem>>, vector<16xi32>,
      %get3A_208 = arith.constant 1 : i32
      %get3A_209 = arith.index_cast %get3A_208 : i32 to index
      %get3A_210 = arith.constant 96 : index
      %get3A_211 = tpu.vector_load %arg9[%get3A_209, %get3A_210] {strides = array<i32>} : memref<4x128xi32, #tpu.memory_space<vmem>>, vector<16xi32>,
      %gather3A_212 = tpu.vector_load_idx %arg11[%get3A_207] : memref<10000xf32, #tpu.memory_space<vmem>>[vector<16xi32>], vector<16xf32>,
      tpu.vector_store_idx %arg12[%get3A_211], %gather3A_212 {add = true} : memref<10112xf32, #tpu.memory_space<vmem>>[vector<16xi32>], vector<16xf32>,
      %get3A_213 = arith.constant 1 : i32
      %get3A_214 = arith.index_cast %get3A_213 : i32 to index
      %get3A_215 = arith.constant 112 : index
      %get3A_216 = tpu.vector_load %arg8[%get3A_214, %get3A_215] {strides = array<i32>} : memref<4x128xi32, #tpu.memory_space<vmem>>, vector<16xi32>,
      %get3A_217 = arith.constant 1 : i32
      %get3A_218 = arith.index_cast %get3A_217 : i32 to index
      %get3A_219 = arith.constant 112 : index
      %get3A_220 = tpu.vector_load %arg9[%get3A_218, %get3A_219] {strides = array<i32>} : memref<4x128xi32, #tpu.memory_space<vmem>>, vector<16xi32>,
      %gather3A_221 = tpu.vector_load_idx %arg11[%get3A_216] : memref<10000xf32, #tpu.memory_space<vmem>>[vector<16xi32>], vector<16xf32>,
      tpu.vector_store_idx %arg12[%get3A_220], %gather3A_221 {add = true} : memref<10112xf32, #tpu.memory_space<vmem>>[vector<16xi32>], vector<16xf32>,
      %dma_wait3A_222 = arith.constant 1 : i32
      %dma_wait3A_223 = arith.constant 0 : i32
      %dma_wait3A_224 = tpu.memref_slice %arg8[%dma_wait3A_222, %dma_wait3A_223] : memref<4x128xi32, #tpu.memory_space<vmem>> -> memref<1x128xi32, #tpu.memory_space<vmem>>
      %dma_wait3A_225 = tpu.memref_squeeze %dma_wait3A_224 : memref<1x128xi32, #tpu.memory_space<vmem>> -> memref<128xi32, #tpu.memory_space<vmem>>
      %dma_wait3A_226 = arith.constant 0 : i32
      %dma_wait3A_227 = arith.constant 0 : i32
      %dma_wait3A_228 = tpu.memref_slice %arg2[%dma_wait3A_226, %dma_wait3A_227] : memref<10000x128xf32, #tpu.memory_space<hbm>> -> memref<10000x128xf32, #tpu.memory_space<hbm>>
      tpu.wait_indirect_dma semaphore(%arg14 : memref<!tpu.dma_semaphore, #tpu.memory_space<semaphore_mem>>) src(%dma_wait3A_228 : memref<10000x128xf32, #tpu.memory_space<hbm>>) dst(%arg10 : memref<128x128xf32, #tpu.memory_space<vmem>>)
      %run_scoped3A_229 = arith.constant 1 : i32
      "tpu.region"() ({
        %run_scoped3A_404 = tpu.sem_alloc : memref<!tpu.dma_semaphore, #tpu.memory_space<semaphore_mem>>
        %dma_start3A_405 = arith.constant 0 : i32
        %dma_start3A_406 = tpu.memref_slice %arg9[%run_scoped3A_229, %dma_start3A_405] : memref<4x128xi32, #tpu.memory_space<vmem>> -> memref<1x128xi32, #tpu.memory_space<vmem>>
        %dma_start3A_407 = tpu.memref_squeeze %dma_start3A_406 : memref<1x128xi32, #tpu.memory_space<vmem>> -> memref<128xi32, #tpu.memory_space<vmem>>
        %dma_start3A_408 = arith.constant 0 : i32
        %dma_start3A_409 = arith.constant 0 : i32
        %dma_start3A_410 = tpu.memref_slice %arg13[%dma_start3A_408, %dma_start3A_409] : memref<10112x128xf32, #tpu.memory_space<vmem_shared>> -> memref<10112x128xf32, #tpu.memory_space<vmem_shared>>
        tpu.enqueue_indirect_dma source(%arg10 : memref<128x128xf32, #tpu.memory_space<vmem>>) target(%dma_start3A_410 : memref<10112x128xf32, #tpu.memory_space<vmem_shared>>) offsets(%dma_start3A_407 : memref<128xi32, #tpu.memory_space<vmem>>) semaphore(%run_scoped3A_404 : memref<!tpu.dma_semaphore, #tpu.memory_space<semaphore_mem>>) {add = true}
        %dma_wait3A_411 = arith.constant 0 : i32
        %dma_wait3A_412 = tpu.memref_slice %arg9[%run_scoped3A_229, %dma_wait3A_411] : memref<4x128xi32, #tpu.memory_space<vmem>> -> memref<1x128xi32, #tpu.memory_space<vmem>>
        %dma_wait3A_413 = tpu.memref_squeeze %dma_wait3A_412 : memref<1x128xi32, #tpu.memory_space<vmem>> -> memref<128xi32, #tpu.memory_space<vmem>>
        %dma_wait3A_414 = arith.constant 0 : i32
        %dma_wait3A_415 = arith.constant 0 : i32
        %dma_wait3A_416 = tpu.memref_slice %arg13[%dma_wait3A_414, %dma_wait3A_415] : memref<10112x128xf32, #tpu.memory_space<vmem_shared>> -> memref<10112x128xf32, #tpu.memory_space<vmem_shared>>
        tpu.wait_indirect_dma semaphore(%run_scoped3A_404 : memref<!tpu.dma_semaphore, #tpu.memory_space<semaphore_mem>>) src(%arg10 : memref<128x128xf32, #tpu.memory_space<vmem>>) dst(%dma_wait3A_416 : memref<10112x128xf32, #tpu.memory_space<vmem_shared>>)
        tpu.yield
      }) : () -> ()
      %dma_start3A_230 = arith.constant 2 : i32
      %dma_start3A_231 = arith.constant 0 : i32
      %dma_start3A_232 = tpu.memref_slice %arg8[%dma_start3A_230, %dma_start3A_231] : memref<4x128xi32, #tpu.memory_space<vmem>> -> memref<1x128xi32, #tpu.memory_space<vmem>>
      %dma_start3A_233 = tpu.memref_squeeze %dma_start3A_232 : memref<1x128xi32, #tpu.memory_space<vmem>> -> memref<128xi32, #tpu.memory_space<vmem>>
      %dma_start3A_234 = arith.constant 0 : i32
      %dma_start3A_235 = arith.constant 0 : i32
      %dma_start3A_236 = tpu.memref_slice %arg2[%dma_start3A_234, %dma_start3A_235] : memref<10000x128xf32, #tpu.memory_space<hbm>> -> memref<10000x128xf32, #tpu.memory_space<hbm>>
      tpu.enqueue_indirect_dma source(%dma_start3A_236 : memref<10000x128xf32, #tpu.memory_space<hbm>>) target(%arg10 : memref<128x128xf32, #tpu.memory_space<vmem>>) offsets(%dma_start3A_233 : memref<128xi32, #tpu.memory_space<vmem>>) semaphore(%arg14 : memref<!tpu.dma_semaphore, #tpu.memory_space<semaphore_mem>>)
      %get3A_237 = arith.constant 2 : i32
      %get3A_238 = arith.index_cast %get3A_237 : i32 to index
      %get3A_239 = arith.constant 0 : index
      %get3A_240 = tpu.vector_load %arg8[%get3A_238, %get3A_239] {strides = array<i32>} : memref<4x128xi32, #tpu.memory_space<vmem>>, vector<16xi32>,
      %get3A_241 = arith.constant 2 : i32
      %get3A_242 = arith.index_cast %get3A_241 : i32 to index
      %get3A_243 = arith.constant 0 : index
      %get3A_244 = tpu.vector_load %arg9[%get3A_242, %get3A_243] {strides = array<i32>} : memref<4x128xi32, #tpu.memory_space<vmem>>, vector<16xi32>,
      %gather3A_245 = tpu.vector_load_idx %arg11[%get3A_240] : memref<10000xf32, #tpu.memory_space<vmem>>[vector<16xi32>], vector<16xf32>,
      tpu.vector_store_idx %arg12[%get3A_244], %gather3A_245 {add = true} : memref<10112xf32, #tpu.memory_space<vmem>>[vector<16xi32>], vector<16xf32>,
      %get3A_246 = arith.constant 2 : i32
      %get3A_247 = arith.index_cast %get3A_246 : i32 to index
      %get3A_248 = arith.constant 16 : index
      %get3A_249 = tpu.vector_load %arg8[%get3A_247, %get3A_248] {strides = array<i32>} : memref<4x128xi32, #tpu.memory_space<vmem>>, vector<16xi32>,
      %get3A_250 = arith.constant 2 : i32
      %get3A_251 = arith.index_cast %get3A_250 : i32 to index
      %get3A_252 = arith.constant 16 : index
      %get3A_253 = tpu.vector_load %arg9[%get3A_251, %get3A_252] {strides = array<i32>} : memref<4x128xi32, #tpu.memory_space<vmem>>, vector<16xi32>,
      %gather3A_254 = tpu.vector_load_idx %arg11[%get3A_249] : memref<10000xf32, #tpu.memory_space<vmem>>[vector<16xi32>], vector<16xf32>,
      tpu.vector_store_idx %arg12[%get3A_253], %gather3A_254 {add = true} : memref<10112xf32, #tpu.memory_space<vmem>>[vector<16xi32>], vector<16xf32>,
      %get3A_255 = arith.constant 2 : i32
      %get3A_256 = arith.index_cast %get3A_255 : i32 to index
      %get3A_257 = arith.constant 32 : index
      %get3A_258 = tpu.vector_load %arg8[%get3A_256, %get3A_257] {strides = array<i32>} : memref<4x128xi32, #tpu.memory_space<vmem>>, vector<16xi32>,
      %get3A_259 = arith.constant 2 : i32
      %get3A_260 = arith.index_cast %get3A_259 : i32 to index
      %get3A_261 = arith.constant 32 : index
      %get3A_262 = tpu.vector_load %arg9[%get3A_260, %get3A_261] {strides = array<i32>} : memref<4x128xi32, #tpu.memory_space<vmem>>, vector<16xi32>,
      %gather3A_263 = tpu.vector_load_idx %arg11[%get3A_258] : memref<10000xf32, #tpu.memory_space<vmem>>[vector<16xi32>], vector<16xf32>,
      tpu.vector_store_idx %arg12[%get3A_262], %gather3A_263 {add = true} : memref<10112xf32, #tpu.memory_space<vmem>>[vector<16xi32>], vector<16xf32>,
      %get3A_264 = arith.constant 2 : i32
      %get3A_265 = arith.index_cast %get3A_264 : i32 to index
      %get3A_266 = arith.constant 48 : index
      %get3A_267 = tpu.vector_load %arg8[%get3A_265, %get3A_266] {strides = array<i32>} : memref<4x128xi32, #tpu.memory_space<vmem>>, vector<16xi32>,
      %get3A_268 = arith.constant 2 : i32
      %get3A_269 = arith.index_cast %get3A_268 : i32 to index
      %get3A_270 = arith.constant 48 : index
      %get3A_271 = tpu.vector_load %arg9[%get3A_269, %get3A_270] {strides = array<i32>} : memref<4x128xi32, #tpu.memory_space<vmem>>, vector<16xi32>,
      %gather3A_272 = tpu.vector_load_idx %arg11[%get3A_267] : memref<10000xf32, #tpu.memory_space<vmem>>[vector<16xi32>], vector<16xf32>,
      tpu.vector_store_idx %arg12[%get3A_271], %gather3A_272 {add = true} : memref<10112xf32, #tpu.memory_space<vmem>>[vector<16xi32>], vector<16xf32>,
      %get3A_273 = arith.constant 2 : i32
      %get3A_274 = arith.index_cast %get3A_273 : i32 to index
      %get3A_275 = arith.constant 64 : index
      %get3A_276 = tpu.vector_load %arg8[%get3A_274, %get3A_275] {strides = array<i32>} : memref<4x128xi32, #tpu.memory_space<vmem>>, vector<16xi32>,
      %get3A_277 = arith.constant 2 : i32
      %get3A_278 = arith.index_cast %get3A_277 : i32 to index
      %get3A_279 = arith.constant 64 : index
      %get3A_280 = tpu.vector_load %arg9[%get3A_278, %get3A_279] {strides = array<i32>} : memref<4x128xi32, #tpu.memory_space<vmem>>, vector<16xi32>,
      %gather3A_281 = tpu.vector_load_idx %arg11[%get3A_276] : memref<10000xf32, #tpu.memory_space<vmem>>[vector<16xi32>], vector<16xf32>,
      tpu.vector_store_idx %arg12[%get3A_280], %gather3A_281 {add = true} : memref<10112xf32, #tpu.memory_space<vmem>>[vector<16xi32>], vector<16xf32>,
      %get3A_282 = arith.constant 2 : i32
      %get3A_283 = arith.index_cast %get3A_282 : i32 to index
      %get3A_284 = arith.constant 80 : index
      %get3A_285 = tpu.vector_load %arg8[%get3A_283, %get3A_284] {strides = array<i32>} : memref<4x128xi32, #tpu.memory_space<vmem>>, vector<16xi32>,
      %get3A_286 = arith.constant 2 : i32
      %get3A_287 = arith.index_cast %get3A_286 : i32 to index
      %get3A_288 = arith.constant 80 : index
      %get3A_289 = tpu.vector_load %arg9[%get3A_287, %get3A_288] {strides = array<i32>} : memref<4x128xi32, #tpu.memory_space<vmem>>, vector<16xi32>,
      %gather3A_290 = tpu.vector_load_idx %arg11[%get3A_285] : memref<10000xf32, #tpu.memory_space<vmem>>[vector<16xi32>], vector<16xf32>,
      tpu.vector_store_idx %arg12[%get3A_289], %gather3A_290 {add = true} : memref<10112xf32, #tpu.memory_space<vmem>>[vector<16xi32>], vector<16xf32>,
      %get3A_291 = arith.constant 2 : i32
      %get3A_292 = arith.index_cast %get3A_291 : i32 to index
      %get3A_293 = arith.constant 96 : index
      %get3A_294 = tpu.vector_load %arg8[%get3A_292, %get3A_293] {strides = array<i32>} : memref<4x128xi32, #tpu.memory_space<vmem>>, vector<16xi32>,
      %get3A_295 = arith.constant 2 : i32
      %get3A_296 = arith.index_cast %get3A_295 : i32 to index
      %get3A_297 = arith.constant 96 : index
      %get3A_298 = tpu.vector_load %arg9[%get3A_296, %get3A_297] {strides = array<i32>} : memref<4x128xi32, #tpu.memory_space<vmem>>, vector<16xi32>,
      %gather3A_299 = tpu.vector_load_idx %arg11[%get3A_294] : memref<10000xf32, #tpu.memory_space<vmem>>[vector<16xi32>], vector<16xf32>,
      tpu.vector_store_idx %arg12[%get3A_298], %gather3A_299 {add = true} : memref<10112xf32, #tpu.memory_space<vmem>>[vector<16xi32>], vector<16xf32>,
      %get3A_300 = arith.constant 2 : i32
      %get3A_301 = arith.index_cast %get3A_300 : i32 to index
      %get3A_302 = arith.constant 112 : index
      %get3A_303 = tpu.vector_load %arg8[%get3A_301, %get3A_302] {strides = array<i32>} : memref<4x128xi32, #tpu.memory_space<vmem>>, vector<16xi32>,
      %get3A_304 = arith.constant 2 : i32
      %get3A_305 = arith.index_cast %get3A_304 : i32 to index
      %get3A_306 = arith.constant 112 : index
      %get3A_307 = tpu.vector_load %arg9[%get3A_305, %get3A_306] {strides = array<i32>} : memref<4x128xi32, #tpu.memory_space<vmem>>, vector<16xi32>,
      %gather3A_308 = tpu.vector_load_idx %arg11[%get3A_303] : memref<10000xf32, #tpu.memory_space<vmem>>[vector<16xi32>], vector<16xf32>,
      tpu.vector_store_idx %arg12[%get3A_307], %gather3A_308 {add = true} : memref<10112xf32, #tpu.memory_space<vmem>>[vector<16xi32>], vector<16xf32>,
      %dma_wait3A_309 = arith.constant 2 : i32
      %dma_wait3A_310 = arith.constant 0 : i32
      %dma_wait3A_311 = tpu.memref_slice %arg8[%dma_wait3A_309, %dma_wait3A_310] : memref<4x128xi32, #tpu.memory_space<vmem>> -> memref<1x128xi32, #tpu.memory_space<vmem>>
      %dma_wait3A_312 = tpu.memref_squeeze %dma_wait3A_311 : memref<1x128xi32, #tpu.memory_space<vmem>> -> memref<128xi32, #tpu.memory_space<vmem>>
      %dma_wait3A_313 = arith.constant 0 : i32
      %dma_wait3A_314 = arith.constant 0 : i32
      %dma_wait3A_315 = tpu.memref_slice %arg2[%dma_wait3A_313, %dma_wait3A_314] : memref<10000x128xf32, #tpu.memory_space<hbm>> -> memref<10000x128xf32, #tpu.memory_space<hbm>>
      tpu.wait_indirect_dma semaphore(%arg14 : memref<!tpu.dma_semaphore, #tpu.memory_space<semaphore_mem>>) src(%dma_wait3A_315 : memref<10000x128xf32, #tpu.memory_space<hbm>>) dst(%arg10 : memref<128x128xf32, #tpu.memory_space<vmem>>)
      %run_scoped3A_316 = arith.constant 2 : i32
      "tpu.region"() ({
        %run_scoped3A_404 = tpu.sem_alloc : memref<!tpu.dma_semaphore, #tpu.memory_space<semaphore_mem>>
        %dma_start3A_405 = arith.constant 0 : i32
        %dma_start3A_406 = tpu.memref_slice %arg9[%run_scoped3A_316, %dma_start3A_405] : memref<4x128xi32, #tpu.memory_space<vmem>> -> memref<1x128xi32, #tpu.memory_space<vmem>>
        %dma_start3A_407 = tpu.memref_squeeze %dma_start3A_406 : memref<1x128xi32, #tpu.memory_space<vmem>> -> memref<128xi32, #tpu.memory_space<vmem>>
        %dma_start3A_408 = arith.constant 0 : i32
        %dma_start3A_409 = arith.constant 0 : i32
        %dma_start3A_410 = tpu.memref_slice %arg13[%dma_start3A_408, %dma_start3A_409] : memref<10112x128xf32, #tpu.memory_space<vmem_shared>> -> memref<10112x128xf32, #tpu.memory_space<vmem_shared>>
        tpu.enqueue_indirect_dma source(%arg10 : memref<128x128xf32, #tpu.memory_space<vmem>>) target(%dma_start3A_410 : memref<10112x128xf32, #tpu.memory_space<vmem_shared>>) offsets(%dma_start3A_407 : memref<128xi32, #tpu.memory_space<vmem>>) semaphore(%run_scoped3A_404 : memref<!tpu.dma_semaphore, #tpu.memory_space<semaphore_mem>>) {add = true}
        %dma_wait3A_411 = arith.constant 0 : i32
        %dma_wait3A_412 = tpu.memref_slice %arg9[%run_scoped3A_316, %dma_wait3A_411] : memref<4x128xi32, #tpu.memory_space<vmem>> -> memref<1x128xi32, #tpu.memory_space<vmem>>
        %dma_wait3A_413 = tpu.memref_squeeze %dma_wait3A_412 : memref<1x128xi32, #tpu.memory_space<vmem>> -> memref<128xi32, #tpu.memory_space<vmem>>
        %dma_wait3A_414 = arith.constant 0 : i32
        %dma_wait3A_415 = arith.constant 0 : i32
        %dma_wait3A_416 = tpu.memref_slice %arg13[%dma_wait3A_414, %dma_wait3A_415] : memref<10112x128xf32, #tpu.memory_space<vmem_shared>> -> memref<10112x128xf32, #tpu.memory_space<vmem_shared>>
        tpu.wait_indirect_dma semaphore(%run_scoped3A_404 : memref<!tpu.dma_semaphore, #tpu.memory_space<semaphore_mem>>) src(%arg10 : memref<128x128xf32, #tpu.memory_space<vmem>>) dst(%dma_wait3A_416 : memref<10112x128xf32, #tpu.memory_space<vmem_shared>>)
        tpu.yield
      }) : () -> ()
      %dma_start3A_317 = arith.constant 3 : i32
      %dma_start3A_318 = arith.constant 0 : i32
      %dma_start3A_319 = tpu.memref_slice %arg8[%dma_start3A_317, %dma_start3A_318] : memref<4x128xi32, #tpu.memory_space<vmem>> -> memref<1x128xi32, #tpu.memory_space<vmem>>
      %dma_start3A_320 = tpu.memref_squeeze %dma_start3A_319 : memref<1x128xi32, #tpu.memory_space<vmem>> -> memref<128xi32, #tpu.memory_space<vmem>>
      %dma_start3A_321 = arith.constant 0 : i32
      %dma_start3A_322 = arith.constant 0 : i32
      %dma_start3A_323 = tpu.memref_slice %arg2[%dma_start3A_321, %dma_start3A_322] : memref<10000x128xf32, #tpu.memory_space<hbm>> -> memref<10000x128xf32, #tpu.memory_space<hbm>>
      tpu.enqueue_indirect_dma source(%dma_start3A_323 : memref<10000x128xf32, #tpu.memory_space<hbm>>) target(%arg10 : memref<128x128xf32, #tpu.memory_space<vmem>>) offsets(%dma_start3A_320 : memref<128xi32, #tpu.memory_space<vmem>>) semaphore(%arg14 : memref<!tpu.dma_semaphore, #tpu.memory_space<semaphore_mem>>)
      %get3A_324 = arith.constant 3 : i32
      %get3A_325 = arith.index_cast %get3A_324 : i32 to index
      %get3A_326 = arith.constant 0 : index
      %get3A_327 = tpu.vector_load %arg8[%get3A_325, %get3A_326] {strides = array<i32>} : memref<4x128xi32, #tpu.memory_space<vmem>>, vector<16xi32>,
      %get3A_328 = arith.constant 3 : i32
      %get3A_329 = arith.index_cast %get3A_328 : i32 to index
      %get3A_330 = arith.constant 0 : index
      %get3A_331 = tpu.vector_load %arg9[%get3A_329, %get3A_330] {strides = array<i32>} : memref<4x128xi32, #tpu.memory_space<vmem>>, vector<16xi32>,
      %gather3A_332 = tpu.vector_load_idx %arg11[%get3A_327] : memref<10000xf32, #tpu.memory_space<vmem>>[vector<16xi32>], vector<16xf32>,
      tpu.vector_store_idx %arg12[%get3A_331], %gather3A_332 {add = true} : memref<10112xf32, #tpu.memory_space<vmem>>[vector<16xi32>], vector<16xf32>,
      %get3A_333 = arith.constant 3 : i32
      %get3A_334 = arith.index_cast %get3A_333 : i32 to index
      %get3A_335 = arith.constant 16 : index
      %get3A_336 = tpu.vector_load %arg8[%get3A_334, %get3A_335] {strides = array<i32>} : memref<4x128xi32, #tpu.memory_space<vmem>>, vector<16xi32>,
      %get3A_337 = arith.constant 3 : i32
      %get3A_338 = arith.index_cast %get3A_337 : i32 to index
      %get3A_339 = arith.constant 16 : index
      %get3A_340 = tpu.vector_load %arg9[%get3A_338, %get3A_339] {strides = array<i32>} : memref<4x128xi32, #tpu.memory_space<vmem>>, vector<16xi32>,
      %gather3A_341 = tpu.vector_load_idx %arg11[%get3A_336] : memref<10000xf32, #tpu.memory_space<vmem>>[vector<16xi32>], vector<16xf32>,
      tpu.vector_store_idx %arg12[%get3A_340], %gather3A_341 {add = true} : memref<10112xf32, #tpu.memory_space<vmem>>[vector<16xi32>], vector<16xf32>,
      %get3A_342 = arith.constant 3 : i32
      %get3A_343 = arith.index_cast %get3A_342 : i32 to index
      %get3A_344 = arith.constant 32 : index
      %get3A_345 = tpu.vector_load %arg8[%get3A_343, %get3A_344] {strides = array<i32>} : memref<4x128xi32, #tpu.memory_space<vmem>>, vector<16xi32>,
      %get3A_346 = arith.constant 3 : i32
      %get3A_347 = arith.index_cast %get3A_346 : i32 to index
      %get3A_348 = arith.constant 32 : index
      %get3A_349 = tpu.vector_load %arg9[%get3A_347, %get3A_348] {strides = array<i32>} : memref<4x128xi32, #tpu.memory_space<vmem>>, vector<16xi32>,
      %gather3A_350 = tpu.vector_load_idx %arg11[%get3A_345] : memref<10000xf32, #tpu.memory_space<vmem>>[vector<16xi32>], vector<16xf32>,
      tpu.vector_store_idx %arg12[%get3A_349], %gather3A_350 {add = true} : memref<10112xf32, #tpu.memory_space<vmem>>[vector<16xi32>], vector<16xf32>,
      %get3A_351 = arith.constant 3 : i32
      %get3A_352 = arith.index_cast %get3A_351 : i32 to index
      %get3A_353 = arith.constant 48 : index
      %get3A_354 = tpu.vector_load %arg8[%get3A_352, %get3A_353] {strides = array<i32>} : memref<4x128xi32, #tpu.memory_space<vmem>>, vector<16xi32>,
      %get3A_355 = arith.constant 3 : i32
      %get3A_356 = arith.index_cast %get3A_355 : i32 to index
      %get3A_357 = arith.constant 48 : index
      %get3A_358 = tpu.vector_load %arg9[%get3A_356, %get3A_357] {strides = array<i32>} : memref<4x128xi32, #tpu.memory_space<vmem>>, vector<16xi32>,
      %gather3A_359 = tpu.vector_load_idx %arg11[%get3A_354] : memref<10000xf32, #tpu.memory_space<vmem>>[vector<16xi32>], vector<16xf32>,
      tpu.vector_store_idx %arg12[%get3A_358], %gather3A_359 {add = true} : memref<10112xf32, #tpu.memory_space<vmem>>[vector<16xi32>], vector<16xf32>,
      %get3A_360 = arith.constant 3 : i32
      %get3A_361 = arith.index_cast %get3A_360 : i32 to index
      %get3A_362 = arith.constant 64 : index
      %get3A_363 = tpu.vector_load %arg8[%get3A_361, %get3A_362] {strides = array<i32>} : memref<4x128xi32, #tpu.memory_space<vmem>>, vector<16xi32>,
      %get3A_364 = arith.constant 3 : i32
      %get3A_365 = arith.index_cast %get3A_364 : i32 to index
      %get3A_366 = arith.constant 64 : index
      %get3A_367 = tpu.vector_load %arg9[%get3A_365, %get3A_366] {strides = array<i32>} : memref<4x128xi32, #tpu.memory_space<vmem>>, vector<16xi32>,
      %gather3A_368 = tpu.vector_load_idx %arg11[%get3A_363] : memref<10000xf32, #tpu.memory_space<vmem>>[vector<16xi32>], vector<16xf32>,
      tpu.vector_store_idx %arg12[%get3A_367], %gather3A_368 {add = true} : memref<10112xf32, #tpu.memory_space<vmem>>[vector<16xi32>], vector<16xf32>,
      %get3A_369 = arith.constant 3 : i32
      %get3A_370 = arith.index_cast %get3A_369 : i32 to index
      %get3A_371 = arith.constant 80 : index
      %get3A_372 = tpu.vector_load %arg8[%get3A_370, %get3A_371] {strides = array<i32>} : memref<4x128xi32, #tpu.memory_space<vmem>>, vector<16xi32>,
      %get3A_373 = arith.constant 3 : i32
      %get3A_374 = arith.index_cast %get3A_373 : i32 to index
      %get3A_375 = arith.constant 80 : index
      %get3A_376 = tpu.vector_load %arg9[%get3A_374, %get3A_375] {strides = array<i32>} : memref<4x128xi32, #tpu.memory_space<vmem>>, vector<16xi32>,
      %gather3A_377 = tpu.vector_load_idx %arg11[%get3A_372] : memref<10000xf32, #tpu.memory_space<vmem>>[vector<16xi32>], vector<16xf32>,
      tpu.vector_store_idx %arg12[%get3A_376], %gather3A_377 {add = true} : memref<10112xf32, #tpu.memory_space<vmem>>[vector<16xi32>], vector<16xf32>,
      %get3A_378 = arith.constant 3 : i32
      %get3A_379 = arith.index_cast %get3A_378 : i32 to index
      %get3A_380 = arith.constant 96 : index
      %get3A_381 = tpu.vector_load %arg8[%get3A_379, %get3A_380] {strides = array<i32>} : memref<4x128xi32, #tpu.memory_space<vmem>>, vector<16xi32>,
      %get3A_382 = arith.constant 3 : i32
      %get3A_383 = arith.index_cast %get3A_382 : i32 to index
      %get3A_384 = arith.constant 96 : index
      %get3A_385 = tpu.vector_load %arg9[%get3A_383, %get3A_384] {strides = array<i32>} : memref<4x128xi32, #tpu.memory_space<vmem>>, vector<16xi32>,
      %gather3A_386 = tpu.vector_load_idx %arg11[%get3A_381] : memref<10000xf32, #tpu.memory_space<vmem>>[vector<16xi32>], vector<16xf32>,
      tpu.vector_store_idx %arg12[%get3A_385], %gather3A_386 {add = true} : memref<10112xf32, #tpu.memory_space<vmem>>[vector<16xi32>], vector<16xf32>,
      %get3A_387 = arith.constant 3 : i32
      %get3A_388 = arith.index_cast %get3A_387 : i32 to index
      %get3A_389 = arith.constant 112 : index
      %get3A_390 = tpu.vector_load %arg8[%get3A_388, %get3A_389] {strides = array<i32>} : memref<4x128xi32, #tpu.memory_space<vmem>>, vector<16xi32>,
      %get3A_391 = arith.constant 3 : i32
      %get3A_392 = arith.index_cast %get3A_391 : i32 to index
      %get3A_393 = arith.constant 112 : index
      %get3A_394 = tpu.vector_load %arg9[%get3A_392, %get3A_393] {strides = array<i32>} : memref<4x128xi32, #tpu.memory_space<vmem>>, vector<16xi32>,
      %gather3A_395 = tpu.vector_load_idx %arg11[%get3A_390] : memref<10000xf32, #tpu.memory_space<vmem>>[vector<16xi32>], vector<16xf32>,
      tpu.vector_store_idx %arg12[%get3A_394], %gather3A_395 {add = true} : memref<10112xf32, #tpu.memory_space<vmem>>[vector<16xi32>], vector<16xf32>,
      %dma_wait3A_396 = arith.constant 3 : i32
      %dma_wait3A_397 = arith.constant 0 : i32
      %dma_wait3A_398 = tpu.memref_slice %arg8[%dma_wait3A_396, %dma_wait3A_397] : memref<4x128xi32, #tpu.memory_space<vmem>> -> memref<1x128xi32, #tpu.memory_space<vmem>>
      %dma_wait3A_399 = tpu.memref_squeeze %dma_wait3A_398 : memref<1x128xi32, #tpu.memory_space<vmem>> -> memref<128xi32, #tpu.memory_space<vmem>>
      %dma_wait3A_400 = arith.constant 0 : i32
      %dma_wait3A_401 = arith.constant 0 : i32
      %dma_wait3A_402 = tpu.memref_slice %arg2[%dma_wait3A_400, %dma_wait3A_401] : memref<10000x128xf32, #tpu.memory_space<hbm>> -> memref<10000x128xf32, #tpu.memory_space<hbm>>
      tpu.wait_indirect_dma semaphore(%arg14 : memref<!tpu.dma_semaphore, #tpu.memory_space<semaphore_mem>>) src(%dma_wait3A_402 : memref<10000x128xf32, #tpu.memory_space<hbm>>) dst(%arg10 : memref<128x128xf32, #tpu.memory_space<vmem>>)
      %run_scoped3A_403 = arith.constant 3 : i32
      "tpu.region"() ({
        %run_scoped3A_404 = tpu.sem_alloc : memref<!tpu.dma_semaphore, #tpu.memory_space<semaphore_mem>>
        %dma_start3A_405 = arith.constant 0 : i32
        %dma_start3A_406 = tpu.memref_slice %arg9[%run_scoped3A_403, %dma_start3A_405] : memref<4x128xi32, #tpu.memory_space<vmem>> -> memref<1x128xi32, #tpu.memory_space<vmem>>
        %dma_start3A_407 = tpu.memref_squeeze %dma_start3A_406 : memref<1x128xi32, #tpu.memory_space<vmem>> -> memref<128xi32, #tpu.memory_space<vmem>>
        %dma_start3A_408 = arith.constant 0 : i32
        %dma_start3A_409 = arith.constant 0 : i32
        %dma_start3A_410 = tpu.memref_slice %arg13[%dma_start3A_408, %dma_start3A_409] : memref<10112x128xf32, #tpu.memory_space<vmem_shared>> -> memref<10112x128xf32, #tpu.memory_space<vmem_shared>>
        tpu.enqueue_indirect_dma source(%arg10 : memref<128x128xf32, #tpu.memory_space<vmem>>) target(%dma_start3A_410 : memref<10112x128xf32, #tpu.memory_space<vmem_shared>>) offsets(%dma_start3A_407 : memref<128xi32, #tpu.memory_space<vmem>>) semaphore(%run_scoped3A_404 : memref<!tpu.dma_semaphore, #tpu.memory_space<semaphore_mem>>) {add = true}
        %dma_wait3A_411 = arith.constant 0 : i32
        %dma_wait3A_412 = tpu.memref_slice %arg9[%run_scoped3A_403, %dma_wait3A_411] : memref<4x128xi32, #tpu.memory_space<vmem>> -> memref<1x128xi32, #tpu.memory_space<vmem>>
        %dma_wait3A_413 = tpu.memref_squeeze %dma_wait3A_412 : memref<1x128xi32, #tpu.memory_space<vmem>> -> memref<128xi32, #tpu.memory_space<vmem>>
        %dma_wait3A_414 = arith.constant 0 : i32
        %dma_wait3A_415 = arith.constant 0 : i32
        %dma_wait3A_416 = tpu.memref_slice %arg13[%dma_wait3A_414, %dma_wait3A_415] : memref<10112x128xf32, #tpu.memory_space<vmem_shared>> -> memref<10112x128xf32, #tpu.memory_space<vmem_shared>>
        tpu.wait_indirect_dma semaphore(%run_scoped3A_404 : memref<!tpu.dma_semaphore, #tpu.memory_space<semaphore_mem>>) src(%arg10 : memref<128x128xf32, #tpu.memory_space<vmem>>) dst(%dma_wait3A_416 : memref<10112x128xf32, #tpu.memory_space<vmem_shared>>)
        tpu.yield
      }) : () -> ()
    }
    %while3A_36 = arith.constant 1 : i32
    scf.for %while3A_58 = %while3A_34 to %while3A_30 step %while3A_36  : i32 {
      %mul3A_59 = arith.muli %while3A_58, %while3A : i32
      %add3A_60 = arith.addi %add3A, %mul3A_59 : i32
      "tpu.region"() ({
        %run_scoped3A_404 = tpu.sem_alloc : memref<!tpu.dma_semaphore, #tpu.memory_space<semaphore_mem>>
        %dma_start3A_405 = arith.constant 0 : i32
        %dma_start3A_406 = arith.constant 0 : i32
        %dma_start3A_407 = tpu.memref_slice %arg4[%add3A_60, %dma_start3A_405, %dma_start3A_406] : memref<625x4x128xi32, #tpu.memory_space<hbm>> -> memref<1x4x128xi32, #tpu.memory_space<hbm>>
        %dma_start3A_408 = tpu.memref_squeeze %dma_start3A_407 : memref<1x4x128xi32, #tpu.memory_space<hbm>> -> memref<4x128xi32, #tpu.memory_space<hbm>>
        %dma_start3A_409 = arith.constant 0 : i32
        %dma_start3A_410 = arith.constant 0 : i32
        %dma_start3A_411 = tpu.memref_slice %arg4[%add3A_60, %dma_start3A_409, %dma_start3A_410] : memref<625x4x128xi32, #tpu.memory_space<hbm>> -> memref<1x4x128xi32, #tpu.memory_space<hbm>>
        %dma_start3A_412 = tpu.memref_squeeze %dma_start3A_411 : memref<1x4x128xi32, #tpu.memory_space<hbm>> -> memref<4x128xi32, #tpu.memory_space<hbm>>
        tpu.enqueue_dma source(%dma_start3A_412 : memref<4x128xi32, #tpu.memory_space<hbm>>) target(%arg8 : memref<4x128xi32, #tpu.memory_space<vmem>>) target_semaphore(%run_scoped3A_404 : memref<!tpu.dma_semaphore, #tpu.memory_space<semaphore_mem>>)
        %dma_wait3A_413 = arith.constant 0 : i32
        %dma_wait3A_414 = arith.constant 0 : i32
        %dma_wait3A_415 = tpu.memref_slice %arg4[%add3A_60, %dma_wait3A_413, %dma_wait3A_414] : memref<625x4x128xi32, #tpu.memory_space<hbm>> -> memref<1x4x128xi32, #tpu.memory_space<hbm>>
        %dma_wait3A_416 = tpu.memref_squeeze %dma_wait3A_415 : memref<1x4x128xi32, #tpu.memory_space<hbm>> -> memref<4x128xi32, #tpu.memory_space<hbm>>
        %dma_wait3A_417 = arith.constant 0 : i32
        %dma_wait3A_418 = arith.constant 0 : i32
        %dma_wait3A_419 = tpu.memref_slice %arg4[%add3A_60, %dma_wait3A_417, %dma_wait3A_418] : memref<625x4x128xi32, #tpu.memory_space<hbm>> -> memref<1x4x128xi32, #tpu.memory_space<hbm>>
        %dma_wait3A_420 = tpu.memref_squeeze %dma_wait3A_419 : memref<1x4x128xi32, #tpu.memory_space<hbm>> -> memref<4x128xi32, #tpu.memory_space<hbm>>
        tpu.wait_dma2 semaphore(%run_scoped3A_404 : memref<!tpu.dma_semaphore, #tpu.memory_space<semaphore_mem>>) src(%dma_wait3A_420 : memref<4x128xi32, #tpu.memory_space<hbm>>) dst(%arg8 : memref<4x128xi32, #tpu.memory_space<vmem>>)
        tpu.yield
      }) : () -> ()
      "tpu.region"() ({
        %run_scoped3A_404 = tpu.sem_alloc : memref<!tpu.dma_semaphore, #tpu.memory_space<semaphore_mem>>
        %dma_start3A_405 = arith.constant 0 : i32
        %dma_start3A_406 = arith.constant 0 : i32
        %dma_start3A_407 = tpu.memref_slice %arg5[%add3A_60, %dma_start3A_405, %dma_start3A_406] : memref<625x4x128xi32, #tpu.memory_space<hbm>> -> memref<1x4x128xi32, #tpu.memory_space<hbm>>
        %dma_start3A_408 = tpu.memref_squeeze %dma_start3A_407 : memref<1x4x128xi32, #tpu.memory_space<hbm>> -> memref<4x128xi32, #tpu.memory_space<hbm>>
        %dma_start3A_409 = arith.constant 0 : i32
        %dma_start3A_410 = arith.constant 0 : i32
        %dma_start3A_411 = tpu.memref_slice %arg5[%add3A_60, %dma_start3A_409, %dma_start3A_410] : memref<625x4x128xi32, #tpu.memory_space<hbm>> -> memref<1x4x128xi32, #tpu.memory_space<hbm>>
        %dma_start3A_412 = tpu.memref_squeeze %dma_start3A_411 : memref<1x4x128xi32, #tpu.memory_space<hbm>> -> memref<4x128xi32, #tpu.memory_space<hbm>>
        tpu.enqueue_dma source(%dma_start3A_412 : memref<4x128xi32, #tpu.memory_space<hbm>>) target(%arg9 : memref<4x128xi32, #tpu.memory_space<vmem>>) target_semaphore(%run_scoped3A_404 : memref<!tpu.dma_semaphore, #tpu.memory_space<semaphore_mem>>)
        %dma_wait3A_413 = arith.constant 0 : i32
        %dma_wait3A_414 = arith.constant 0 : i32
        %dma_wait3A_415 = tpu.memref_slice %arg5[%add3A_60, %dma_wait3A_413, %dma_wait3A_414] : memref<625x4x128xi32, #tpu.memory_space<hbm>> -> memref<1x4x128xi32, #tpu.memory_space<hbm>>
        %dma_wait3A_416 = tpu.memref_squeeze %dma_wait3A_415 : memref<1x4x128xi32, #tpu.memory_space<hbm>> -> memref<4x128xi32, #tpu.memory_space<hbm>>
        %dma_wait3A_417 = arith.constant 0 : i32
        %dma_wait3A_418 = arith.constant 0 : i32
        %dma_wait3A_419 = tpu.memref_slice %arg5[%add3A_60, %dma_wait3A_417, %dma_wait3A_418] : memref<625x4x128xi32, #tpu.memory_space<hbm>> -> memref<1x4x128xi32, #tpu.memory_space<hbm>>
        %dma_wait3A_420 = tpu.memref_squeeze %dma_wait3A_419 : memref<1x4x128xi32, #tpu.memory_space<hbm>> -> memref<4x128xi32, #tpu.memory_space<hbm>>
        tpu.wait_dma2 semaphore(%run_scoped3A_404 : memref<!tpu.dma_semaphore, #tpu.memory_space<semaphore_mem>>) src(%dma_wait3A_420 : memref<4x128xi32, #tpu.memory_space<hbm>>) dst(%arg9 : memref<4x128xi32, #tpu.memory_space<vmem>>)
        tpu.yield
      }) : () -> ()
      %dma_start3A = arith.constant 0 : i32
      %dma_start3A_61 = arith.constant 0 : i32
      %dma_start3A_62 = tpu.memref_slice %arg8[%dma_start3A, %dma_start3A_61] : memref<4x128xi32, #tpu.memory_space<vmem>> -> memref<1x128xi32, #tpu.memory_space<vmem>>
      %dma_start3A_63 = tpu.memref_squeeze %dma_start3A_62 : memref<1x128xi32, #tpu.memory_space<vmem>> -> memref<128xi32, #tpu.memory_space<vmem>>
      %dma_start3A_64 = arith.constant 0 : i32
      %dma_start3A_65 = arith.constant 0 : i32
      %dma_start3A_66 = tpu.memref_slice %arg2[%dma_start3A_64, %dma_start3A_65] : memref<10000x128xf32, #tpu.memory_space<hbm>> -> memref<10000x128xf32, #tpu.memory_space<hbm>>
      tpu.enqueue_indirect_dma source(%dma_start3A_66 : memref<10000x128xf32, #tpu.memory_space<hbm>>) target(%arg10 : memref<128x128xf32, #tpu.memory_space<vmem>>) offsets(%dma_start3A_63 : memref<128xi32, #tpu.memory_space<vmem>>) semaphore(%arg14 : memref<!tpu.dma_semaphore, #tpu.memory_space<semaphore_mem>>)
      %get3A = arith.constant 0 : i32
      %get3A_67 = arith.index_cast %get3A : i32 to index
      %get3A_68 = arith.constant 0 : index
      %get3A_69 = tpu.vector_load %arg8[%get3A_67, %get3A_68] {strides = array<i32>} : memref<4x128xi32, #tpu.memory_space<vmem>>, vector<16xi32>,
      %get3A_70 = arith.constant 0 : i32
      %get3A_71 = arith.index_cast %get3A_70 : i32 to index
      %get3A_72 = arith.constant 0 : index
      %get3A_73 = tpu.vector_load %arg9[%get3A_71, %get3A_72] {strides = array<i32>} : memref<4x128xi32, #tpu.memory_space<vmem>>, vector<16xi32>,
      %gather3A = tpu.vector_load_idx %arg11[%get3A_69] : memref<10000xf32, #tpu.memory_space<vmem>>[vector<16xi32>], vector<16xf32>,
      tpu.vector_store_idx %arg12[%get3A_73], %gather3A {add = true} : memref<10112xf32, #tpu.memory_space<vmem>>[vector<16xi32>], vector<16xf32>,
      %get3A_74 = arith.constant 0 : i32
      %get3A_75 = arith.index_cast %get3A_74 : i32 to index
      %get3A_76 = arith.constant 16 : index
      %get3A_77 = tpu.vector_load %arg8[%get3A_75, %get3A_76] {strides = array<i32>} : memref<4x128xi32, #tpu.memory_space<vmem>>, vector<16xi32>,
      %get3A_78 = arith.constant 0 : i32
      %get3A_79 = arith.index_cast %get3A_78 : i32 to index
      %get3A_80 = arith.constant 16 : index
      %get3A_81 = tpu.vector_load %arg9[%get3A_79, %get3A_80] {strides = array<i32>} : memref<4x128xi32, #tpu.memory_space<vmem>>, vector<16xi32>,
      %gather3A_82 = tpu.vector_load_idx %arg11[%get3A_77] : memref<10000xf32, #tpu.memory_space<vmem>>[vector<16xi32>], vector<16xf32>,
      tpu.vector_store_idx %arg12[%get3A_81], %gather3A_82 {add = true} : memref<10112xf32, #tpu.memory_space<vmem>>[vector<16xi32>], vector<16xf32>,
      %get3A_83 = arith.constant 0 : i32
      %get3A_84 = arith.index_cast %get3A_83 : i32 to index
      %get3A_85 = arith.constant 32 : index
      %get3A_86 = tpu.vector_load %arg8[%get3A_84, %get3A_85] {strides = array<i32>} : memref<4x128xi32, #tpu.memory_space<vmem>>, vector<16xi32>,
      %get3A_87 = arith.constant 0 : i32
      %get3A_88 = arith.index_cast %get3A_87 : i32 to index
      %get3A_89 = arith.constant 32 : index
      %get3A_90 = tpu.vector_load %arg9[%get3A_88, %get3A_89] {strides = array<i32>} : memref<4x128xi32, #tpu.memory_space<vmem>>, vector<16xi32>,
      %gather3A_91 = tpu.vector_load_idx %arg11[%get3A_86] : memref<10000xf32, #tpu.memory_space<vmem>>[vector<16xi32>], vector<16xf32>,
      tpu.vector_store_idx %arg12[%get3A_90], %gather3A_91 {add = true} : memref<10112xf32, #tpu.memory_space<vmem>>[vector<16xi32>], vector<16xf32>,
      %get3A_92 = arith.constant 0 : i32
      %get3A_93 = arith.index_cast %get3A_92 : i32 to index
      %get3A_94 = arith.constant 48 : index
      %get3A_95 = tpu.vector_load %arg8[%get3A_93, %get3A_94] {strides = array<i32>} : memref<4x128xi32, #tpu.memory_space<vmem>>, vector<16xi32>,
      %get3A_96 = arith.constant 0 : i32
      %get3A_97 = arith.index_cast %get3A_96 : i32 to index
      %get3A_98 = arith.constant 48 : index
      %get3A_99 = tpu.vector_load %arg9[%get3A_97, %get3A_98] {strides = array<i32>} : memref<4x128xi32, #tpu.memory_space<vmem>>, vector<16xi32>,
      %gather3A_100 = tpu.vector_load_idx %arg11[%get3A_95] : memref<10000xf32, #tpu.memory_space<vmem>>[vector<16xi32>], vector<16xf32>,
      tpu.vector_store_idx %arg12[%get3A_99], %gather3A_100 {add = true} : memref<10112xf32, #tpu.memory_space<vmem>>[vector<16xi32>], vector<16xf32>,
      %get3A_101 = arith.constant 0 : i32
      %get3A_102 = arith.index_cast %get3A_101 : i32 to index
      %get3A_103 = arith.constant 64 : index
      %get3A_104 = tpu.vector_load %arg8[%get3A_102, %get3A_103] {strides = array<i32>} : memref<4x128xi32, #tpu.memory_space<vmem>>, vector<16xi32>,
      %get3A_105 = arith.constant 0 : i32
      %get3A_106 = arith.index_cast %get3A_105 : i32 to index
      %get3A_107 = arith.constant 64 : index
      %get3A_108 = tpu.vector_load %arg9[%get3A_106, %get3A_107] {strides = array<i32>} : memref<4x128xi32, #tpu.memory_space<vmem>>, vector<16xi32>,
      %gather3A_109 = tpu.vector_load_idx %arg11[%get3A_104] : memref<10000xf32, #tpu.memory_space<vmem>>[vector<16xi32>], vector<16xf32>,
      tpu.vector_store_idx %arg12[%get3A_108], %gather3A_109 {add = true} : memref<10112xf32, #tpu.memory_space<vmem>>[vector<16xi32>], vector<16xf32>,
      %get3A_110 = arith.constant 0 : i32
      %get3A_111 = arith.index_cast %get3A_110 : i32 to index
      %get3A_112 = arith.constant 80 : index
      %get3A_113 = tpu.vector_load %arg8[%get3A_111, %get3A_112] {strides = array<i32>} : memref<4x128xi32, #tpu.memory_space<vmem>>, vector<16xi32>,
      %get3A_114 = arith.constant 0 : i32
      %get3A_115 = arith.index_cast %get3A_114 : i32 to index
      %get3A_116 = arith.constant 80 : index
      %get3A_117 = tpu.vector_load %arg9[%get3A_115, %get3A_116] {strides = array<i32>} : memref<4x128xi32, #tpu.memory_space<vmem>>, vector<16xi32>,
      %gather3A_118 = tpu.vector_load_idx %arg11[%get3A_113] : memref<10000xf32, #tpu.memory_space<vmem>>[vector<16xi32>], vector<16xf32>,
      tpu.vector_store_idx %arg12[%get3A_117], %gather3A_118 {add = true} : memref<10112xf32, #tpu.memory_space<vmem>>[vector<16xi32>], vector<16xf32>,
      %get3A_119 = arith.constant 0 : i32
      %get3A_120 = arith.index_cast %get3A_119 : i32 to index
      %get3A_121 = arith.constant 96 : index
      %get3A_122 = tpu.vector_load %arg8[%get3A_120, %get3A_121] {strides = array<i32>} : memref<4x128xi32, #tpu.memory_space<vmem>>, vector<16xi32>,
      %get3A_123 = arith.constant 0 : i32
      %get3A_124 = arith.index_cast %get3A_123 : i32 to index
      %get3A_125 = arith.constant 96 : index
      %get3A_126 = tpu.vector_load %arg9[%get3A_124, %get3A_125] {strides = array<i32>} : memref<4x128xi32, #tpu.memory_space<vmem>>, vector<16xi32>,
      %gather3A_127 = tpu.vector_load_idx %arg11[%get3A_122] : memref<10000xf32, #tpu.memory_space<vmem>>[vector<16xi32>], vector<16xf32>,
      tpu.vector_store_idx %arg12[%get3A_126], %gather3A_127 {add = true} : memref<10112xf32, #tpu.memory_space<vmem>>[vector<16xi32>], vector<16xf32>,
      %get3A_128 = arith.constant 0 : i32
      %get3A_129 = arith.index_cast %get3A_128 : i32 to index
      %get3A_130 = arith.constant 112 : index
      %get3A_131 = tpu.vector_load %arg8[%get3A_129, %get3A_130] {strides = array<i32>} : memref<4x128xi32, #tpu.memory_space<vmem>>, vector<16xi32>,
      %get3A_132 = arith.constant 0 : i32
      %get3A_133 = arith.index_cast %get3A_132 : i32 to index
      %get3A_134 = arith.constant 112 : index
      %get3A_135 = tpu.vector_load %arg9[%get3A_133, %get3A_134] {strides = array<i32>} : memref<4x128xi32, #tpu.memory_space<vmem>>, vector<16xi32>,
      %gather3A_136 = tpu.vector_load_idx %arg11[%get3A_131] : memref<10000xf32, #tpu.memory_space<vmem>>[vector<16xi32>], vector<16xf32>,
      tpu.vector_store_idx %arg12[%get3A_135], %gather3A_136 {add = true} : memref<10112xf32, #tpu.memory_space<vmem>>[vector<16xi32>], vector<16xf32>,
      %dma_wait3A = arith.constant 0 : i32
      %dma_wait3A_137 = arith.constant 0 : i32
      %dma_wait3A_138 = tpu.memref_slice %arg8[%dma_wait3A, %dma_wait3A_137] : memref<4x128xi32, #tpu.memory_space<vmem>> -> memref<1x128xi32, #tpu.memory_space<vmem>>
      %dma_wait3A_139 = tpu.memref_squeeze %dma_wait3A_138 : memref<1x128xi32, #tpu.memory_space<vmem>> -> memref<128xi32, #tpu.memory_space<vmem>>
      %dma_wait3A_140 = arith.constant 0 : i32
      %dma_wait3A_141 = arith.constant 0 : i32
      %dma_wait3A_142 = tpu.memref_slice %arg2[%dma_wait3A_140, %dma_wait3A_141] : memref<10000x128xf32, #tpu.memory_space<hbm>> -> memref<10000x128xf32, #tpu.memory_space<hbm>>
      tpu.wait_indirect_dma semaphore(%arg14 : memref<!tpu.dma_semaphore, #tpu.memory_space<semaphore_mem>>) src(%dma_wait3A_142 : memref<10000x128xf32, #tpu.memory_space<hbm>>) dst(%arg10 : memref<128x128xf32, #tpu.memory_space<vmem>>)
      %run_scoped3A = arith.constant 0 : i32
      "tpu.region"() ({
        %run_scoped3A_404 = tpu.sem_alloc : memref<!tpu.dma_semaphore, #tpu.memory_space<semaphore_mem>>
        %dma_start3A_405 = arith.constant 0 : i32
        %dma_start3A_406 = tpu.memref_slice %arg9[%run_scoped3A, %dma_start3A_405] : memref<4x128xi32, #tpu.memory_space<vmem>> -> memref<1x128xi32, #tpu.memory_space<vmem>>
        %dma_start3A_407 = tpu.memref_squeeze %dma_start3A_406 : memref<1x128xi32, #tpu.memory_space<vmem>> -> memref<128xi32, #tpu.memory_space<vmem>>
        %dma_start3A_408 = arith.constant 0 : i32
        %dma_start3A_409 = arith.constant 0 : i32
        %dma_start3A_410 = tpu.memref_slice %arg13[%dma_start3A_408, %dma_start3A_409] : memref<10112x128xf32, #tpu.memory_space<vmem_shared>> -> memref<10112x128xf32, #tpu.memory_space<vmem_shared>>
        tpu.enqueue_indirect_dma source(%arg10 : memref<128x128xf32, #tpu.memory_space<vmem>>) target(%dma_start3A_410 : memref<10112x128xf32, #tpu.memory_space<vmem_shared>>) offsets(%dma_start3A_407 : memref<128xi32, #tpu.memory_space<vmem>>) semaphore(%run_scoped3A_404 : memref<!tpu.dma_semaphore, #tpu.memory_space<semaphore_mem>>) {add = true}
        %dma_wait3A_411 = arith.constant 0 : i32
        %dma_wait3A_412 = tpu.memref_slice %arg9[%run_scoped3A, %dma_wait3A_411] : memref<4x128xi32, #tpu.memory_space<vmem>> -> memref<1x128xi32, #tpu.memory_space<vmem>>
        %dma_wait3A_413 = tpu.memref_squeeze %dma_wait3A_412 : memref<1x128xi32, #tpu.memory_space<vmem>> -> memref<128xi32, #tpu.memory_space<vmem>>
        %dma_wait3A_414 = arith.constant 0 : i32
        %dma_wait3A_415 = arith.constant 0 : i32
        %dma_wait3A_416 = tpu.memref_slice %arg13[%dma_wait3A_414, %dma_wait3A_415] : memref<10112x128xf32, #tpu.memory_space<vmem_shared>> -> memref<10112x128xf32, #tpu.memory_space<vmem_shared>>
        tpu.wait_indirect_dma semaphore(%run_scoped3A_404 : memref<!tpu.dma_semaphore, #tpu.memory_space<semaphore_mem>>) src(%arg10 : memref<128x128xf32, #tpu.memory_space<vmem>>) dst(%dma_wait3A_416 : memref<10112x128xf32, #tpu.memory_space<vmem_shared>>)
        tpu.yield
      }) : () -> ()
      %dma_start3A_143 = arith.constant 1 : i32
      %dma_start3A_144 = arith.constant 0 : i32
      %dma_start3A_145 = tpu.memref_slice %arg8[%dma_start3A_143, %dma_start3A_144] : memref<4x128xi32, #tpu.memory_space<vmem>> -> memref<1x128xi32, #tpu.memory_space<vmem>>
      %dma_start3A_146 = tpu.memref_squeeze %dma_start3A_145 : memref<1x128xi32, #tpu.memory_space<vmem>> -> memref<128xi32, #tpu.memory_space<vmem>>
      %dma_start3A_147 = arith.constant 0 : i32
      %dma_start3A_148 = arith.constant 0 : i32
      %dma_start3A_149 = tpu.memref_slice %arg2[%dma_start3A_147, %dma_start3A_148] : memref<10000x128xf32, #tpu.memory_space<hbm>> -> memref<10000x128xf32, #tpu.memory_space<hbm>>
      tpu.enqueue_indirect_dma source(%dma_start3A_149 : memref<10000x128xf32, #tpu.memory_space<hbm>>) target(%arg10 : memref<128x128xf32, #tpu.memory_space<vmem>>) offsets(%dma_start3A_146 : memref<128xi32, #tpu.memory_space<vmem>>) semaphore(%arg14 : memref<!tpu.dma_semaphore, #tpu.memory_space<semaphore_mem>>)
      %get3A_150 = arith.constant 1 : i32
      %get3A_151 = arith.index_cast %get3A_150 : i32 to index
      %get3A_152 = arith.constant 0 : index
      %get3A_153 = tpu.vector_load %arg8[%get3A_151, %get3A_152] {strides = array<i32>} : memref<4x128xi32, #tpu.memory_space<vmem>>, vector<16xi32>,
      %get3A_154 = arith.constant 1 : i32
      %get3A_155 = arith.index_cast %get3A_154 : i32 to index
      %get3A_156 = arith.constant 0 : index
      %get3A_157 = tpu.vector_load %arg9[%get3A_155, %get3A_156] {strides = array<i32>} : memref<4x128xi32, #tpu.memory_space<vmem>>, vector<16xi32>,
      %gather3A_158 = tpu.vector_load_idx %arg11[%get3A_153] : memref<10000xf32, #tpu.memory_space<vmem>>[vector<16xi32>], vector<16xf32>,
      tpu.vector_store_idx %arg12[%get3A_157], %gather3A_158 {add = true} : memref<10112xf32, #tpu.memory_space<vmem>>[vector<16xi32>], vector<16xf32>,
      %get3A_159 = arith.constant 1 : i32
      %get3A_160 = arith.index_cast %get3A_159 : i32 to index
      %get3A_161 = arith.constant 16 : index
      %get3A_162 = tpu.vector_load %arg8[%get3A_160, %get3A_161] {strides = array<i32>} : memref<4x128xi32, #tpu.memory_space<vmem>>, vector<16xi32>,
      %get3A_163 = arith.constant 1 : i32
      %get3A_164 = arith.index_cast %get3A_163 : i32 to index
      %get3A_165 = arith.constant 16 : index
      %get3A_166 = tpu.vector_load %arg9[%get3A_164, %get3A_165] {strides = array<i32>} : memref<4x128xi32, #tpu.memory_space<vmem>>, vector<16xi32>,
      %gather3A_167 = tpu.vector_load_idx %arg11[%get3A_162] : memref<10000xf32, #tpu.memory_space<vmem>>[vector<16xi32>], vector<16xf32>,
      tpu.vector_store_idx %arg12[%get3A_166], %gather3A_167 {add = true} : memref<10112xf32, #tpu.memory_space<vmem>>[vector<16xi32>], vector<16xf32>,
      %get3A_168 = arith.constant 1 : i32
      %get3A_169 = arith.index_cast %get3A_168 : i32 to index
      %get3A_170 = arith.constant 32 : index
      %get3A_171 = tpu.vector_load %arg8[%get3A_169, %get3A_170] {strides = array<i32>} : memref<4x128xi32, #tpu.memory_space<vmem>>, vector<16xi32>,
      %get3A_172 = arith.constant 1 : i32
      %get3A_173 = arith.index_cast %get3A_172 : i32 to index
      %get3A_174 = arith.constant 32 : index
      %get3A_175 = tpu.vector_load %arg9[%get3A_173, %get3A_174] {strides = array<i32>} : memref<4x128xi32, #tpu.memory_space<vmem>>, vector<16xi32>,
      %gather3A_176 = tpu.vector_load_idx %arg11[%get3A_171] : memref<10000xf32, #tpu.memory_space<vmem>>[vector<16xi32>], vector<16xf32>,
      tpu.vector_store_idx %arg12[%get3A_175], %gather3A_176 {add = true} : memref<10112xf32, #tpu.memory_space<vmem>>[vector<16xi32>], vector<16xf32>,
      %get3A_177 = arith.constant 1 : i32
      %get3A_178 = arith.index_cast %get3A_177 : i32 to index
      %get3A_179 = arith.constant 48 : index
      %get3A_180 = tpu.vector_load %arg8[%get3A_178, %get3A_179] {strides = array<i32>} : memref<4x128xi32, #tpu.memory_space<vmem>>, vector<16xi32>,
      %get3A_181 = arith.constant 1 : i32
      %get3A_182 = arith.index_cast %get3A_181 : i32 to index
      %get3A_183 = arith.constant 48 : index
      %get3A_184 = tpu.vector_load %arg9[%get3A_182, %get3A_183] {strides = array<i32>} : memref<4x128xi32, #tpu.memory_space<vmem>>, vector<16xi32>,
      %gather3A_185 = tpu.vector_load_idx %arg11[%get3A_180] : memref<10000xf32, #tpu.memory_space<vmem>>[vector<16xi32>], vector<16xf32>,
      tpu.vector_store_idx %arg12[%get3A_184], %gather3A_185 {add = true} : memref<10112xf32, #tpu.memory_space<vmem>>[vector<16xi32>], vector<16xf32>,
      %get3A_186 = arith.constant 1 : i32
      %get3A_187 = arith.index_cast %get3A_186 : i32 to index
      %get3A_188 = arith.constant 64 : index
      %get3A_189 = tpu.vector_load %arg8[%get3A_187, %get3A_188] {strides = array<i32>} : memref<4x128xi32, #tpu.memory_space<vmem>>, vector<16xi32>,
      %get3A_190 = arith.constant 1 : i32
      %get3A_191 = arith.index_cast %get3A_190 : i32 to index
      %get3A_192 = arith.constant 64 : index
      %get3A_193 = tpu.vector_load %arg9[%get3A_191, %get3A_192] {strides = array<i32>} : memref<4x128xi32, #tpu.memory_space<vmem>>, vector<16xi32>,
      %gather3A_194 = tpu.vector_load_idx %arg11[%get3A_189] : memref<10000xf32, #tpu.memory_space<vmem>>[vector<16xi32>], vector<16xf32>,
      tpu.vector_store_idx %arg12[%get3A_193], %gather3A_194 {add = true} : memref<10112xf32, #tpu.memory_space<vmem>>[vector<16xi32>], vector<16xf32>,
      %get3A_195 = arith.constant 1 : i32
      %get3A_196 = arith.index_cast %get3A_195 : i32 to index
      %get3A_197 = arith.constant 80 : index
      %get3A_198 = tpu.vector_load %arg8[%get3A_196, %get3A_197] {strides = array<i32>} : memref<4x128xi32, #tpu.memory_space<vmem>>, vector<16xi32>,
      %get3A_199 = arith.constant 1 : i32
      %get3A_200 = arith.index_cast %get3A_199 : i32 to index
      %get3A_201 = arith.constant 80 : index
      %get3A_202 = tpu.vector_load %arg9[%get3A_200, %get3A_201] {strides = array<i32>} : memref<4x128xi32, #tpu.memory_space<vmem>>, vector<16xi32>,
      %gather3A_203 = tpu.vector_load_idx %arg11[%get3A_198] : memref<10000xf32, #tpu.memory_space<vmem>>[vector<16xi32>], vector<16xf32>,
      tpu.vector_store_idx %arg12[%get3A_202], %gather3A_203 {add = true} : memref<10112xf32, #tpu.memory_space<vmem>>[vector<16xi32>], vector<16xf32>,
      %get3A_204 = arith.constant 1 : i32
      %get3A_205 = arith.index_cast %get3A_204 : i32 to index
      %get3A_206 = arith.constant 96 : index
      %get3A_207 = tpu.vector_load %arg8[%get3A_205, %get3A_206] {strides = array<i32>} : memref<4x128xi32, #tpu.memory_space<vmem>>, vector<16xi32>,
      %get3A_208 = arith.constant 1 : i32
      %get3A_209 = arith.index_cast %get3A_208 : i32 to index
      %get3A_210 = arith.constant 96 : index
      %get3A_211 = tpu.vector_load %arg9[%get3A_209, %get3A_210] {strides = array<i32>} : memref<4x128xi32, #tpu.memory_space<vmem>>, vector<16xi32>,
      %gather3A_212 = tpu.vector_load_idx %arg11[%get3A_207] : memref<10000xf32, #tpu.memory_space<vmem>>[vector<16xi32>], vector<16xf32>,
      tpu.vector_store_idx %arg12[%get3A_211], %gather3A_212 {add = true} : memref<10112xf32, #tpu.memory_space<vmem>>[vector<16xi32>], vector<16xf32>,
      %get3A_213 = arith.constant 1 : i32
      %get3A_214 = arith.index_cast %get3A_213 : i32 to index
      %get3A_215 = arith.constant 112 : index
      %get3A_216 = tpu.vector_load %arg8[%get3A_214, %get3A_215] {strides = array<i32>} : memref<4x128xi32, #tpu.memory_space<vmem>>, vector<16xi32>,
      %get3A_217 = arith.constant 1 : i32
      %get3A_218 = arith.index_cast %get3A_217 : i32 to index
      %get3A_219 = arith.constant 112 : index
      %get3A_220 = tpu.vector_load %arg9[%get3A_218, %get3A_219] {strides = array<i32>} : memref<4x128xi32, #tpu.memory_space<vmem>>, vector<16xi32>,
      %gather3A_221 = tpu.vector_load_idx %arg11[%get3A_216] : memref<10000xf32, #tpu.memory_space<vmem>>[vector<16xi32>], vector<16xf32>,
      tpu.vector_store_idx %arg12[%get3A_220], %gather3A_221 {add = true} : memref<10112xf32, #tpu.memory_space<vmem>>[vector<16xi32>], vector<16xf32>,
      %dma_wait3A_222 = arith.constant 1 : i32
      %dma_wait3A_223 = arith.constant 0 : i32
      %dma_wait3A_224 = tpu.memref_slice %arg8[%dma_wait3A_222, %dma_wait3A_223] : memref<4x128xi32, #tpu.memory_space<vmem>> -> memref<1x128xi32, #tpu.memory_space<vmem>>
      %dma_wait3A_225 = tpu.memref_squeeze %dma_wait3A_224 : memref<1x128xi32, #tpu.memory_space<vmem>> -> memref<128xi32, #tpu.memory_space<vmem>>
      %dma_wait3A_226 = arith.constant 0 : i32
      %dma_wait3A_227 = arith.constant 0 : i32
      %dma_wait3A_228 = tpu.memref_slice %arg2[%dma_wait3A_226, %dma_wait3A_227] : memref<10000x128xf32, #tpu.memory_space<hbm>> -> memref<10000x128xf32, #tpu.memory_space<hbm>>
      tpu.wait_indirect_dma semaphore(%arg14 : memref<!tpu.dma_semaphore, #tpu.memory_space<semaphore_mem>>) src(%dma_wait3A_228 : memref<10000x128xf32, #tpu.memory_space<hbm>>) dst(%arg10 : memref<128x128xf32, #tpu.memory_space<vmem>>)
      %run_scoped3A_229 = arith.constant 1 : i32
      "tpu.region"() ({
        %run_scoped3A_404 = tpu.sem_alloc : memref<!tpu.dma_semaphore, #tpu.memory_space<semaphore_mem>>
        %dma_start3A_405 = arith.constant 0 : i32
        %dma_start3A_406 = tpu.memref_slice %arg9[%run_scoped3A_229, %dma_start3A_405] : memref<4x128xi32, #tpu.memory_space<vmem>> -> memref<1x128xi32, #tpu.memory_space<vmem>>
        %dma_start3A_407 = tpu.memref_squeeze %dma_start3A_406 : memref<1x128xi32, #tpu.memory_space<vmem>> -> memref<128xi32, #tpu.memory_space<vmem>>
        %dma_start3A_408 = arith.constant 0 : i32
        %dma_start3A_409 = arith.constant 0 : i32
        %dma_start3A_410 = tpu.memref_slice %arg13[%dma_start3A_408, %dma_start3A_409] : memref<10112x128xf32, #tpu.memory_space<vmem_shared>> -> memref<10112x128xf32, #tpu.memory_space<vmem_shared>>
        tpu.enqueue_indirect_dma source(%arg10 : memref<128x128xf32, #tpu.memory_space<vmem>>) target(%dma_start3A_410 : memref<10112x128xf32, #tpu.memory_space<vmem_shared>>) offsets(%dma_start3A_407 : memref<128xi32, #tpu.memory_space<vmem>>) semaphore(%run_scoped3A_404 : memref<!tpu.dma_semaphore, #tpu.memory_space<semaphore_mem>>) {add = true}
        %dma_wait3A_411 = arith.constant 0 : i32
        %dma_wait3A_412 = tpu.memref_slice %arg9[%run_scoped3A_229, %dma_wait3A_411] : memref<4x128xi32, #tpu.memory_space<vmem>> -> memref<1x128xi32, #tpu.memory_space<vmem>>
        %dma_wait3A_413 = tpu.memref_squeeze %dma_wait3A_412 : memref<1x128xi32, #tpu.memory_space<vmem>> -> memref<128xi32, #tpu.memory_space<vmem>>
        %dma_wait3A_414 = arith.constant 0 : i32
        %dma_wait3A_415 = arith.constant 0 : i32
        %dma_wait3A_416 = tpu.memref_slice %arg13[%dma_wait3A_414, %dma_wait3A_415] : memref<10112x128xf32, #tpu.memory_space<vmem_shared>> -> memref<10112x128xf32, #tpu.memory_space<vmem_shared>>
        tpu.wait_indirect_dma semaphore(%run_scoped3A_404 : memref<!tpu.dma_semaphore, #tpu.memory_space<semaphore_mem>>) src(%arg10 : memref<128x128xf32, #tpu.memory_space<vmem>>) dst(%dma_wait3A_416 : memref<10112x128xf32, #tpu.memory_space<vmem_shared>>)
        tpu.yield
      }) : () -> ()
      %dma_start3A_230 = arith.constant 2 : i32
      %dma_start3A_231 = arith.constant 0 : i32
      %dma_start3A_232 = tpu.memref_slice %arg8[%dma_start3A_230, %dma_start3A_231] : memref<4x128xi32, #tpu.memory_space<vmem>> -> memref<1x128xi32, #tpu.memory_space<vmem>>
      %dma_start3A_233 = tpu.memref_squeeze %dma_start3A_232 : memref<1x128xi32, #tpu.memory_space<vmem>> -> memref<128xi32, #tpu.memory_space<vmem>>
      %dma_start3A_234 = arith.constant 0 : i32
      %dma_start3A_235 = arith.constant 0 : i32
      %dma_start3A_236 = tpu.memref_slice %arg2[%dma_start3A_234, %dma_start3A_235] : memref<10000x128xf32, #tpu.memory_space<hbm>> -> memref<10000x128xf32, #tpu.memory_space<hbm>>
      tpu.enqueue_indirect_dma source(%dma_start3A_236 : memref<10000x128xf32, #tpu.memory_space<hbm>>) target(%arg10 : memref<128x128xf32, #tpu.memory_space<vmem>>) offsets(%dma_start3A_233 : memref<128xi32, #tpu.memory_space<vmem>>) semaphore(%arg14 : memref<!tpu.dma_semaphore, #tpu.memory_space<semaphore_mem>>)
      %get3A_237 = arith.constant 2 : i32
      %get3A_238 = arith.index_cast %get3A_237 : i32 to index
      %get3A_239 = arith.constant 0 : index
      %get3A_240 = tpu.vector_load %arg8[%get3A_238, %get3A_239] {strides = array<i32>} : memref<4x128xi32, #tpu.memory_space<vmem>>, vector<16xi32>,
      %get3A_241 = arith.constant 2 : i32
      %get3A_242 = arith.index_cast %get3A_241 : i32 to index
      %get3A_243 = arith.constant 0 : index
      %get3A_244 = tpu.vector_load %arg9[%get3A_242, %get3A_243] {strides = array<i32>} : memref<4x128xi32, #tpu.memory_space<vmem>>, vector<16xi32>,
      %gather3A_245 = tpu.vector_load_idx %arg11[%get3A_240] : memref<10000xf32, #tpu.memory_space<vmem>>[vector<16xi32>], vector<16xf32>,
      tpu.vector_store_idx %arg12[%get3A_244], %gather3A_245 {add = true} : memref<10112xf32, #tpu.memory_space<vmem>>[vector<16xi32>], vector<16xf32>,
      %get3A_246 = arith.constant 2 : i32
      %get3A_247 = arith.index_cast %get3A_246 : i32 to index
      %get3A_248 = arith.constant 16 : index
      %get3A_249 = tpu.vector_load %arg8[%get3A_247, %get3A_248] {strides = array<i32>} : memref<4x128xi32, #tpu.memory_space<vmem>>, vector<16xi32>,
      %get3A_250 = arith.constant 2 : i32
      %get3A_251 = arith.index_cast %get3A_250 : i32 to index
      %get3A_252 = arith.constant 16 : index
      %get3A_253 = tpu.vector_load %arg9[%get3A_251, %get3A_252] {strides = array<i32>} : memref<4x128xi32, #tpu.memory_space<vmem>>, vector<16xi32>,
      %gather3A_254 = tpu.vector_load_idx %arg11[%get3A_249] : memref<10000xf32, #tpu.memory_space<vmem>>[vector<16xi32>], vector<16xf32>,
      tpu.vector_store_idx %arg12[%get3A_253], %gather3A_254 {add = true} : memref<10112xf32, #tpu.memory_space<vmem>>[vector<16xi32>], vector<16xf32>,
      %get3A_255 = arith.constant 2 : i32
      %get3A_256 = arith.index_cast %get3A_255 : i32 to index
      %get3A_257 = arith.constant 32 : index
      %get3A_258 = tpu.vector_load %arg8[%get3A_256, %get3A_257] {strides = array<i32>} : memref<4x128xi32, #tpu.memory_space<vmem>>, vector<16xi32>,
      %get3A_259 = arith.constant 2 : i32
      %get3A_260 = arith.index_cast %get3A_259 : i32 to index
      %get3A_261 = arith.constant 32 : index
      %get3A_262 = tpu.vector_load %arg9[%get3A_260, %get3A_261] {strides = array<i32>} : memref<4x128xi32, #tpu.memory_space<vmem>>, vector<16xi32>,
      %gather3A_263 = tpu.vector_load_idx %arg11[%get3A_258] : memref<10000xf32, #tpu.memory_space<vmem>>[vector<16xi32>], vector<16xf32>,
      tpu.vector_store_idx %arg12[%get3A_262], %gather3A_263 {add = true} : memref<10112xf32, #tpu.memory_space<vmem>>[vector<16xi32>], vector<16xf32>,
      %get3A_264 = arith.constant 2 : i32
      %get3A_265 = arith.index_cast %get3A_264 : i32 to index
      %get3A_266 = arith.constant 48 : index
      %get3A_267 = tpu.vector_load %arg8[%get3A_265, %get3A_266] {strides = array<i32>} : memref<4x128xi32, #tpu.memory_space<vmem>>, vector<16xi32>,
      %get3A_268 = arith.constant 2 : i32
      %get3A_269 = arith.index_cast %get3A_268 : i32 to index
      %get3A_270 = arith.constant 48 : index
      %get3A_271 = tpu.vector_load %arg9[%get3A_269, %get3A_270] {strides = array<i32>} : memref<4x128xi32, #tpu.memory_space<vmem>>, vector<16xi32>,
      %gather3A_272 = tpu.vector_load_idx %arg11[%get3A_267] : memref<10000xf32, #tpu.memory_space<vmem>>[vector<16xi32>], vector<16xf32>,
      tpu.vector_store_idx %arg12[%get3A_271], %gather3A_272 {add = true} : memref<10112xf32, #tpu.memory_space<vmem>>[vector<16xi32>], vector<16xf32>,
      %get3A_273 = arith.constant 2 : i32
      %get3A_274 = arith.index_cast %get3A_273 : i32 to index
      %get3A_275 = arith.constant 64 : index
      %get3A_276 = tpu.vector_load %arg8[%get3A_274, %get3A_275] {strides = array<i32>} : memref<4x128xi32, #tpu.memory_space<vmem>>, vector<16xi32>,
      %get3A_277 = arith.constant 2 : i32
      %get3A_278 = arith.index_cast %get3A_277 : i32 to index
      %get3A_279 = arith.constant 64 : index
      %get3A_280 = tpu.vector_load %arg9[%get3A_278, %get3A_279] {strides = array<i32>} : memref<4x128xi32, #tpu.memory_space<vmem>>, vector<16xi32>,
      %gather3A_281 = tpu.vector_load_idx %arg11[%get3A_276] : memref<10000xf32, #tpu.memory_space<vmem>>[vector<16xi32>], vector<16xf32>,
      tpu.vector_store_idx %arg12[%get3A_280], %gather3A_281 {add = true} : memref<10112xf32, #tpu.memory_space<vmem>>[vector<16xi32>], vector<16xf32>,
      %get3A_282 = arith.constant 2 : i32
      %get3A_283 = arith.index_cast %get3A_282 : i32 to index
      %get3A_284 = arith.constant 80 : index
      %get3A_285 = tpu.vector_load %arg8[%get3A_283, %get3A_284] {strides = array<i32>} : memref<4x128xi32, #tpu.memory_space<vmem>>, vector<16xi32>,
      %get3A_286 = arith.constant 2 : i32
      %get3A_287 = arith.index_cast %get3A_286 : i32 to index
      %get3A_288 = arith.constant 80 : index
      %get3A_289 = tpu.vector_load %arg9[%get3A_287, %get3A_288] {strides = array<i32>} : memref<4x128xi32, #tpu.memory_space<vmem>>, vector<16xi32>,
      %gather3A_290 = tpu.vector_load_idx %arg11[%get3A_285] : memref<10000xf32, #tpu.memory_space<vmem>>[vector<16xi32>], vector<16xf32>,
      tpu.vector_store_idx %arg12[%get3A_289], %gather3A_290 {add = true} : memref<10112xf32, #tpu.memory_space<vmem>>[vector<16xi32>], vector<16xf32>,
      %get3A_291 = arith.constant 2 : i32
      %get3A_292 = arith.index_cast %get3A_291 : i32 to index
      %get3A_293 = arith.constant 96 : index
      %get3A_294 = tpu.vector_load %arg8[%get3A_292, %get3A_293] {strides = array<i32>} : memref<4x128xi32, #tpu.memory_space<vmem>>, vector<16xi32>,
      %get3A_295 = arith.constant 2 : i32
      %get3A_296 = arith.index_cast %get3A_295 : i32 to index
      %get3A_297 = arith.constant 96 : index
      %get3A_298 = tpu.vector_load %arg9[%get3A_296, %get3A_297] {strides = array<i32>} : memref<4x128xi32, #tpu.memory_space<vmem>>, vector<16xi32>,
      %gather3A_299 = tpu.vector_load_idx %arg11[%get3A_294] : memref<10000xf32, #tpu.memory_space<vmem>>[vector<16xi32>], vector<16xf32>,
      tpu.vector_store_idx %arg12[%get3A_298], %gather3A_299 {add = true} : memref<10112xf32, #tpu.memory_space<vmem>>[vector<16xi32>], vector<16xf32>,
      %get3A_300 = arith.constant 2 : i32
      %get3A_301 = arith.index_cast %get3A_300 : i32 to index
      %get3A_302 = arith.constant 112 : index
      %get3A_303 = tpu.vector_load %arg8[%get3A_301, %get3A_302] {strides = array<i32>} : memref<4x128xi32, #tpu.memory_space<vmem>>, vector<16xi32>,
      %get3A_304 = arith.constant 2 : i32
      %get3A_305 = arith.index_cast %get3A_304 : i32 to index
      %get3A_306 = arith.constant 112 : index
      %get3A_307 = tpu.vector_load %arg9[%get3A_305, %get3A_306] {strides = array<i32>} : memref<4x128xi32, #tpu.memory_space<vmem>>, vector<16xi32>,
      %gather3A_308 = tpu.vector_load_idx %arg11[%get3A_303] : memref<10000xf32, #tpu.memory_space<vmem>>[vector<16xi32>], vector<16xf32>,
      tpu.vector_store_idx %arg12[%get3A_307], %gather3A_308 {add = true} : memref<10112xf32, #tpu.memory_space<vmem>>[vector<16xi32>], vector<16xf32>,
      %dma_wait3A_309 = arith.constant 2 : i32
      %dma_wait3A_310 = arith.constant 0 : i32
      %dma_wait3A_311 = tpu.memref_slice %arg8[%dma_wait3A_309, %dma_wait3A_310] : memref<4x128xi32, #tpu.memory_space<vmem>> -> memref<1x128xi32, #tpu.memory_space<vmem>>
      %dma_wait3A_312 = tpu.memref_squeeze %dma_wait3A_311 : memref<1x128xi32, #tpu.memory_space<vmem>> -> memref<128xi32, #tpu.memory_space<vmem>>
      %dma_wait3A_313 = arith.constant 0 : i32
      %dma_wait3A_314 = arith.constant 0 : i32
      %dma_wait3A_315 = tpu.memref_slice %arg2[%dma_wait3A_313, %dma_wait3A_314] : memref<10000x128xf32, #tpu.memory_space<hbm>> -> memref<10000x128xf32, #tpu.memory_space<hbm>>
      tpu.wait_indirect_dma semaphore(%arg14 : memref<!tpu.dma_semaphore, #tpu.memory_space<semaphore_mem>>) src(%dma_wait3A_315 : memref<10000x128xf32, #tpu.memory_space<hbm>>) dst(%arg10 : memref<128x128xf32, #tpu.memory_space<vmem>>)
      %run_scoped3A_316 = arith.constant 2 : i32
      "tpu.region"() ({
        %run_scoped3A_404 = tpu.sem_alloc : memref<!tpu.dma_semaphore, #tpu.memory_space<semaphore_mem>>
        %dma_start3A_405 = arith.constant 0 : i32
        %dma_start3A_406 = tpu.memref_slice %arg9[%run_scoped3A_316, %dma_start3A_405] : memref<4x128xi32, #tpu.memory_space<vmem>> -> memref<1x128xi32, #tpu.memory_space<vmem>>
        %dma_start3A_407 = tpu.memref_squeeze %dma_start3A_406 : memref<1x128xi32, #tpu.memory_space<vmem>> -> memref<128xi32, #tpu.memory_space<vmem>>
        %dma_start3A_408 = arith.constant 0 : i32
        %dma_start3A_409 = arith.constant 0 : i32
        %dma_start3A_410 = tpu.memref_slice %arg13[%dma_start3A_408, %dma_start3A_409] : memref<10112x128xf32, #tpu.memory_space<vmem_shared>> -> memref<10112x128xf32, #tpu.memory_space<vmem_shared>>
        tpu.enqueue_indirect_dma source(%arg10 : memref<128x128xf32, #tpu.memory_space<vmem>>) target(%dma_start3A_410 : memref<10112x128xf32, #tpu.memory_space<vmem_shared>>) offsets(%dma_start3A_407 : memref<128xi32, #tpu.memory_space<vmem>>) semaphore(%run_scoped3A_404 : memref<!tpu.dma_semaphore, #tpu.memory_space<semaphore_mem>>) {add = true}
        %dma_wait3A_411 = arith.constant 0 : i32
        %dma_wait3A_412 = tpu.memref_slice %arg9[%run_scoped3A_316, %dma_wait3A_411] : memref<4x128xi32, #tpu.memory_space<vmem>> -> memref<1x128xi32, #tpu.memory_space<vmem>>
        %dma_wait3A_413 = tpu.memref_squeeze %dma_wait3A_412 : memref<1x128xi32, #tpu.memory_space<vmem>> -> memref<128xi32, #tpu.memory_space<vmem>>
        %dma_wait3A_414 = arith.constant 0 : i32
        %dma_wait3A_415 = arith.constant 0 : i32
        %dma_wait3A_416 = tpu.memref_slice %arg13[%dma_wait3A_414, %dma_wait3A_415] : memref<10112x128xf32, #tpu.memory_space<vmem_shared>> -> memref<10112x128xf32, #tpu.memory_space<vmem_shared>>
        tpu.wait_indirect_dma semaphore(%run_scoped3A_404 : memref<!tpu.dma_semaphore, #tpu.memory_space<semaphore_mem>>) src(%arg10 : memref<128x128xf32, #tpu.memory_space<vmem>>) dst(%dma_wait3A_416 : memref<10112x128xf32, #tpu.memory_space<vmem_shared>>)
        tpu.yield
      }) : () -> ()
      %dma_start3A_317 = arith.constant 3 : i32
      %dma_start3A_318 = arith.constant 0 : i32
      %dma_start3A_319 = tpu.memref_slice %arg8[%dma_start3A_317, %dma_start3A_318] : memref<4x128xi32, #tpu.memory_space<vmem>> -> memref<1x128xi32, #tpu.memory_space<vmem>>
      %dma_start3A_320 = tpu.memref_squeeze %dma_start3A_319 : memref<1x128xi32, #tpu.memory_space<vmem>> -> memref<128xi32, #tpu.memory_space<vmem>>
      %dma_start3A_321 = arith.constant 0 : i32
      %dma_start3A_322 = arith.constant 0 : i32
      %dma_start3A_323 = tpu.memref_slice %arg2[%dma_start3A_321, %dma_start3A_322] : memref<10000x128xf32, #tpu.memory_space<hbm>> -> memref<10000x128xf32, #tpu.memory_space<hbm>>
      tpu.enqueue_indirect_dma source(%dma_start3A_323 : memref<10000x128xf32, #tpu.memory_space<hbm>>) target(%arg10 : memref<128x128xf32, #tpu.memory_space<vmem>>) offsets(%dma_start3A_320 : memref<128xi32, #tpu.memory_space<vmem>>) semaphore(%arg14 : memref<!tpu.dma_semaphore, #tpu.memory_space<semaphore_mem>>)
      %get3A_324 = arith.constant 3 : i32
      %get3A_325 = arith.index_cast %get3A_324 : i32 to index
      %get3A_326 = arith.constant 0 : index
      %get3A_327 = tpu.vector_load %arg8[%get3A_325, %get3A_326] {strides = array<i32>} : memref<4x128xi32, #tpu.memory_space<vmem>>, vector<16xi32>,
      %get3A_328 = arith.constant 3 : i32
      %get3A_329 = arith.index_cast %get3A_328 : i32 to index
      %get3A_330 = arith.constant 0 : index
      %get3A_331 = tpu.vector_load %arg9[%get3A_329, %get3A_330] {strides = array<i32>} : memref<4x128xi32, #tpu.memory_space<vmem>>, vector<16xi32>,
      %gather3A_332 = tpu.vector_load_idx %arg11[%get3A_327] : memref<10000xf32, #tpu.memory_space<vmem>>[vector<16xi32>], vector<16xf32>,
      tpu.vector_store_idx %arg12[%get3A_331], %gather3A_332 {add = true} : memref<10112xf32, #tpu.memory_space<vmem>>[vector<16xi32>], vector<16xf32>,
      %get3A_333 = arith.constant 3 : i32
      %get3A_334 = arith.index_cast %get3A_333 : i32 to index
      %get3A_335 = arith.constant 16 : index
      %get3A_336 = tpu.vector_load %arg8[%get3A_334, %get3A_335] {strides = array<i32>} : memref<4x128xi32, #tpu.memory_space<vmem>>, vector<16xi32>,
      %get3A_337 = arith.constant 3 : i32
      %get3A_338 = arith.index_cast %get3A_337 : i32 to index
      %get3A_339 = arith.constant 16 : index
      %get3A_340 = tpu.vector_load %arg9[%get3A_338, %get3A_339] {strides = array<i32>} : memref<4x128xi32, #tpu.memory_space<vmem>>, vector<16xi32>,
      %gather3A_341 = tpu.vector_load_idx %arg11[%get3A_336] : memref<10000xf32, #tpu.memory_space<vmem>>[vector<16xi32>], vector<16xf32>,
      tpu.vector_store_idx %arg12[%get3A_340], %gather3A_341 {add = true} : memref<10112xf32, #tpu.memory_space<vmem>>[vector<16xi32>], vector<16xf32>,
      %get3A_342 = arith.constant 3 : i32
      %get3A_343 = arith.index_cast %get3A_342 : i32 to index
      %get3A_344 = arith.constant 32 : index
      %get3A_345 = tpu.vector_load %arg8[%get3A_343, %get3A_344] {strides = array<i32>} : memref<4x128xi32, #tpu.memory_space<vmem>>, vector<16xi32>,
      %get3A_346 = arith.constant 3 : i32
      %get3A_347 = arith.index_cast %get3A_346 : i32 to index
      %get3A_348 = arith.constant 32 : index
      %get3A_349 = tpu.vector_load %arg9[%get3A_347, %get3A_348] {strides = array<i32>} : memref<4x128xi32, #tpu.memory_space<vmem>>, vector<16xi32>,
      %gather3A_350 = tpu.vector_load_idx %arg11[%get3A_345] : memref<10000xf32, #tpu.memory_space<vmem>>[vector<16xi32>], vector<16xf32>,
      tpu.vector_store_idx %arg12[%get3A_349], %gather3A_350 {add = true} : memref<10112xf32, #tpu.memory_space<vmem>>[vector<16xi32>], vector<16xf32>,
      %get3A_351 = arith.constant 3 : i32
      %get3A_352 = arith.index_cast %get3A_351 : i32 to index
      %get3A_353 = arith.constant 48 : index
      %get3A_354 = tpu.vector_load %arg8[%get3A_352, %get3A_353] {strides = array<i32>} : memref<4x128xi32, #tpu.memory_space<vmem>>, vector<16xi32>,
      %get3A_355 = arith.constant 3 : i32
      %get3A_356 = arith.index_cast %get3A_355 : i32 to index
      %get3A_357 = arith.constant 48 : index
      %get3A_358 = tpu.vector_load %arg9[%get3A_356, %get3A_357] {strides = array<i32>} : memref<4x128xi32, #tpu.memory_space<vmem>>, vector<16xi32>,
      %gather3A_359 = tpu.vector_load_idx %arg11[%get3A_354] : memref<10000xf32, #tpu.memory_space<vmem>>[vector<16xi32>], vector<16xf32>,
      tpu.vector_store_idx %arg12[%get3A_358], %gather3A_359 {add = true} : memref<10112xf32, #tpu.memory_space<vmem>>[vector<16xi32>], vector<16xf32>,
      %get3A_360 = arith.constant 3 : i32
      %get3A_361 = arith.index_cast %get3A_360 : i32 to index
      %get3A_362 = arith.constant 64 : index
      %get3A_363 = tpu.vector_load %arg8[%get3A_361, %get3A_362] {strides = array<i32>} : memref<4x128xi32, #tpu.memory_space<vmem>>, vector<16xi32>,
      %get3A_364 = arith.constant 3 : i32
      %get3A_365 = arith.index_cast %get3A_364 : i32 to index
      %get3A_366 = arith.constant 64 : index
      %get3A_367 = tpu.vector_load %arg9[%get3A_365, %get3A_366] {strides = array<i32>} : memref<4x128xi32, #tpu.memory_space<vmem>>, vector<16xi32>,
      %gather3A_368 = tpu.vector_load_idx %arg11[%get3A_363] : memref<10000xf32, #tpu.memory_space<vmem>>[vector<16xi32>], vector<16xf32>,
      tpu.vector_store_idx %arg12[%get3A_367], %gather3A_368 {add = true} : memref<10112xf32, #tpu.memory_space<vmem>>[vector<16xi32>], vector<16xf32>,
      %get3A_369 = arith.constant 3 : i32
      %get3A_370 = arith.index_cast %get3A_369 : i32 to index
      %get3A_371 = arith.constant 80 : index
      %get3A_372 = tpu.vector_load %arg8[%get3A_370, %get3A_371] {strides = array<i32>} : memref<4x128xi32, #tpu.memory_space<vmem>>, vector<16xi32>,
      %get3A_373 = arith.constant 3 : i32
      %get3A_374 = arith.index_cast %get3A_373 : i32 to index
      %get3A_375 = arith.constant 80 : index
      %get3A_376 = tpu.vector_load %arg9[%get3A_374, %get3A_375] {strides = array<i32>} : memref<4x128xi32, #tpu.memory_space<vmem>>, vector<16xi32>,
      %gather3A_377 = tpu.vector_load_idx %arg11[%get3A_372] : memref<10000xf32, #tpu.memory_space<vmem>>[vector<16xi32>], vector<16xf32>,
      tpu.vector_store_idx %arg12[%get3A_376], %gather3A_377 {add = true} : memref<10112xf32, #tpu.memory_space<vmem>>[vector<16xi32>], vector<16xf32>,
      %get3A_378 = arith.constant 3 : i32
      %get3A_379 = arith.index_cast %get3A_378 : i32 to index
      %get3A_380 = arith.constant 96 : index
      %get3A_381 = tpu.vector_load %arg8[%get3A_379, %get3A_380] {strides = array<i32>} : memref<4x128xi32, #tpu.memory_space<vmem>>, vector<16xi32>,
      %get3A_382 = arith.constant 3 : i32
      %get3A_383 = arith.index_cast %get3A_382 : i32 to index
      %get3A_384 = arith.constant 96 : index
      %get3A_385 = tpu.vector_load %arg9[%get3A_383, %get3A_384] {strides = array<i32>} : memref<4x128xi32, #tpu.memory_space<vmem>>, vector<16xi32>,
      %gather3A_386 = tpu.vector_load_idx %arg11[%get3A_381] : memref<10000xf32, #tpu.memory_space<vmem>>[vector<16xi32>], vector<16xf32>,
      tpu.vector_store_idx %arg12[%get3A_385], %gather3A_386 {add = true} : memref<10112xf32, #tpu.memory_space<vmem>>[vector<16xi32>], vector<16xf32>,
      %get3A_387 = arith.constant 3 : i32
      %get3A_388 = arith.index_cast %get3A_387 : i32 to index
      %get3A_389 = arith.constant 112 : index
      %get3A_390 = tpu.vector_load %arg8[%get3A_388, %get3A_389] {strides = array<i32>} : memref<4x128xi32, #tpu.memory_space<vmem>>, vector<16xi32>,
      %get3A_391 = arith.constant 3 : i32
      %get3A_392 = arith.index_cast %get3A_391 : i32 to index
      %get3A_393 = arith.constant 112 : index
      %get3A_394 = tpu.vector_load %arg9[%get3A_392, %get3A_393] {strides = array<i32>} : memref<4x128xi32, #tpu.memory_space<vmem>>, vector<16xi32>,
      %gather3A_395 = tpu.vector_load_idx %arg11[%get3A_390] : memref<10000xf32, #tpu.memory_space<vmem>>[vector<16xi32>], vector<16xf32>,
      tpu.vector_store_idx %arg12[%get3A_394], %gather3A_395 {add = true} : memref<10112xf32, #tpu.memory_space<vmem>>[vector<16xi32>], vector<16xf32>,
      %dma_wait3A_396 = arith.constant 3 : i32
      %dma_wait3A_397 = arith.constant 0 : i32
      %dma_wait3A_398 = tpu.memref_slice %arg8[%dma_wait3A_396, %dma_wait3A_397] : memref<4x128xi32, #tpu.memory_space<vmem>> -> memref<1x128xi32, #tpu.memory_space<vmem>>
      %dma_wait3A_399 = tpu.memref_squeeze %dma_wait3A_398 : memref<1x128xi32, #tpu.memory_space<vmem>> -> memref<128xi32, #tpu.memory_space<vmem>>
      %dma_wait3A_400 = arith.constant 0 : i32
      %dma_wait3A_401 = arith.constant 0 : i32
      %dma_wait3A_402 = tpu.memref_slice %arg2[%dma_wait3A_400, %dma_wait3A_401] : memref<10000x128xf32, #tpu.memory_space<hbm>> -> memref<10000x128xf32, #tpu.memory_space<hbm>>
      tpu.wait_indirect_dma semaphore(%arg14 : memref<!tpu.dma_semaphore, #tpu.memory_space<semaphore_mem>>) src(%dma_wait3A_402 : memref<10000x128xf32, #tpu.memory_space<hbm>>) dst(%arg10 : memref<128x128xf32, #tpu.memory_space<vmem>>)
      %run_scoped3A_403 = arith.constant 3 : i32
      "tpu.region"() ({
        %run_scoped3A_404 = tpu.sem_alloc : memref<!tpu.dma_semaphore, #tpu.memory_space<semaphore_mem>>
        %dma_start3A_405 = arith.constant 0 : i32
        %dma_start3A_406 = tpu.memref_slice %arg9[%run_scoped3A_403, %dma_start3A_405] : memref<4x128xi32, #tpu.memory_space<vmem>> -> memref<1x128xi32, #tpu.memory_space<vmem>>
        %dma_start3A_407 = tpu.memref_squeeze %dma_start3A_406 : memref<1x128xi32, #tpu.memory_space<vmem>> -> memref<128xi32, #tpu.memory_space<vmem>>
        %dma_start3A_408 = arith.constant 0 : i32
        %dma_start3A_409 = arith.constant 0 : i32
        %dma_start3A_410 = tpu.memref_slice %arg13[%dma_start3A_408, %dma_start3A_409] : memref<10112x128xf32, #tpu.memory_space<vmem_shared>> -> memref<10112x128xf32, #tpu.memory_space<vmem_shared>>
        tpu.enqueue_indirect_dma source(%arg10 : memref<128x128xf32, #tpu.memory_space<vmem>>) target(%dma_start3A_410 : memref<10112x128xf32, #tpu.memory_space<vmem_shared>>) offsets(%dma_start3A_407 : memref<128xi32, #tpu.memory_space<vmem>>) semaphore(%run_scoped3A_404 : memref<!tpu.dma_semaphore, #tpu.memory_space<semaphore_mem>>) {add = true}
        %dma_wait3A_411 = arith.constant 0 : i32
        %dma_wait3A_412 = tpu.memref_slice %arg9[%run_scoped3A_403, %dma_wait3A_411] : memref<4x128xi32, #tpu.memory_space<vmem>> -> memref<1x128xi32, #tpu.memory_space<vmem>>
        %dma_wait3A_413 = tpu.memref_squeeze %dma_wait3A_412 : memref<1x128xi32, #tpu.memory_space<vmem>> -> memref<128xi32, #tpu.memory_space<vmem>>
        %dma_wait3A_414 = arith.constant 0 : i32
        %dma_wait3A_415 = arith.constant 0 : i32
        %dma_wait3A_416 = tpu.memref_slice %arg13[%dma_wait3A_414, %dma_wait3A_415] : memref<10112x128xf32, #tpu.memory_space<vmem_shared>> -> memref<10112x128xf32, #tpu.memory_space<vmem_shared>>
        tpu.wait_indirect_dma semaphore(%run_scoped3A_404 : memref<!tpu.dma_semaphore, #tpu.memory_space<semaphore_mem>>) src(%arg10 : memref<128x128xf32, #tpu.memory_space<vmem>>) dst(%dma_wait3A_416 : memref<10112x128xf32, #tpu.memory_space<vmem_shared>>)
        tpu.yield
      }) : () -> ()
    }
    %barrier3A_37 = arith.constant 0 : index
    tpu.barrier barrier_id(%barrier3A_37)
    %add3A_38 = arith.constant 0 : i32
    %add3A_39 = arith.addi %mul3A_11, %add3A_38 : i32
    %add3A_40 = arith.constant 0 : i32
    %add3A_41 = arith.addi %mul3A_11, %add3A_40 : i32
    "tpu.region"() ({
      %run_scoped3A = tpu.sem_alloc : memref<!tpu.dma_semaphore, #tpu.memory_space<semaphore_mem>>
      %dma_start3A = arith.constant 0 : i32
      %dma_start3A_58 = tpu.memref_slice %arg6[%arg0, %add3A_41, %dma_start3A] : memref<2x10112x128xf32, #tpu.memory_space<hbm>> -> memref<1x128x128xf32, #tpu.memory_space<hbm>>
      %dma_start3A_59 = tpu.memref_squeeze %dma_start3A_58 : memref<1x128x128xf32, #tpu.memory_space<hbm>> -> memref<128x128xf32, #tpu.memory_space<hbm>>
      %dma_start3A_60 = arith.constant 0 : i32
      %dma_start3A_61 = tpu.memref_slice %arg13[%add3A_39, %dma_start3A_60] : memref<10112x128xf32, #tpu.memory_space<vmem_shared>> -> memref<128x128xf32, #tpu.memory_space<vmem_shared>>
      tpu.enqueue_dma source(%dma_start3A_61 : memref<128x128xf32, #tpu.memory_space<vmem_shared>>) target(%dma_start3A_59 : memref<128x128xf32, #tpu.memory_space<hbm>>) target_semaphore(%run_scoped3A : memref<!tpu.dma_semaphore, #tpu.memory_space<semaphore_mem>>)
      %dma_wait3A = arith.constant 0 : i32
      %dma_wait3A_62 = tpu.memref_slice %arg6[%arg0, %add3A_41, %dma_wait3A] : memref<2x10112x128xf32, #tpu.memory_space<hbm>> -> memref<1x128x128xf32, #tpu.memory_space<hbm>>
      %dma_wait3A_63 = tpu.memref_squeeze %dma_wait3A_62 : memref<1x128x128xf32, #tpu.memory_space<hbm>> -> memref<128x128xf32, #tpu.memory_space<hbm>>
      %dma_wait3A_64 = arith.constant 0 : i32
      %dma_wait3A_65 = tpu.memref_slice %arg13[%add3A_39, %dma_wait3A_64] : memref<10112x128xf32, #tpu.memory_space<vmem_shared>> -> memref<128x128xf32, #tpu.memory_space<vmem_shared>>
      tpu.wait_dma2 semaphore(%run_scoped3A : memref<!tpu.dma_semaphore, #tpu.memory_space<semaphore_mem>>) src(%dma_wait3A_65 : memref<128x128xf32, #tpu.memory_space<vmem_shared>>) dst(%dma_wait3A_63 : memref<128x128xf32, #tpu.memory_space<hbm>>)
      tpu.yield
    }) : () -> ()
    %add3A_42 = arith.constant 128 : i32
    %add3A_43 = arith.addi %mul3A_11, %add3A_42 : i32
    %add3A_44 = arith.constant 128 : i32
    %add3A_45 = arith.addi %mul3A_11, %add3A_44 : i32
    "tpu.region"() ({
      %run_scoped3A = tpu.sem_alloc : memref<!tpu.dma_semaphore, #tpu.memory_space<semaphore_mem>>
      %dma_start3A = arith.constant 0 : i32
      %dma_start3A_58 = tpu.memref_slice %arg6[%arg0, %add3A_45, %dma_start3A] : memref<2x10112x128xf32, #tpu.memory_space<hbm>> -> memref<1x128x128xf32, #tpu.memory_space<hbm>>
      %dma_start3A_59 = tpu.memref_squeeze %dma_start3A_58 : memref<1x128x128xf32, #tpu.memory_space<hbm>> -> memref<128x128xf32, #tpu.memory_space<hbm>>
      %dma_start3A_60 = arith.constant 0 : i32
      %dma_start3A_61 = tpu.memref_slice %arg13[%add3A_43, %dma_start3A_60] : memref<10112x128xf32, #tpu.memory_space<vmem_shared>> -> memref<128x128xf32, #tpu.memory_space<vmem_shared>>
      tpu.enqueue_dma source(%dma_start3A_61 : memref<128x128xf32, #tpu.memory_space<vmem_shared>>) target(%dma_start3A_59 : memref<128x128xf32, #tpu.memory_space<hbm>>) target_semaphore(%run_scoped3A : memref<!tpu.dma_semaphore, #tpu.memory_space<semaphore_mem>>)
      %dma_wait3A = arith.constant 0 : i32
      %dma_wait3A_62 = tpu.memref_slice %arg6[%arg0, %add3A_45, %dma_wait3A] : memref<2x10112x128xf32, #tpu.memory_space<hbm>> -> memref<1x128x128xf32, #tpu.memory_space<hbm>>
      %dma_wait3A_63 = tpu.memref_squeeze %dma_wait3A_62 : memref<1x128x128xf32, #tpu.memory_space<hbm>> -> memref<128x128xf32, #tpu.memory_space<hbm>>
      %dma_wait3A_64 = arith.constant 0 : i32
      %dma_wait3A_65 = tpu.memref_slice %arg13[%add3A_43, %dma_wait3A_64] : memref<10112x128xf32, #tpu.memory_space<vmem_shared>> -> memref<128x128xf32, #tpu.memory_space<vmem_shared>>
      tpu.wait_dma2 semaphore(%run_scoped3A : memref<!tpu.dma_semaphore, #tpu.memory_space<semaphore_mem>>) src(%dma_wait3A_65 : memref<128x128xf32, #tpu.memory_space<vmem_shared>>) dst(%dma_wait3A_63 : memref<128x128xf32, #tpu.memory_space<hbm>>)
      tpu.yield
    }) : () -> ()
    %add3A_46 = arith.constant 256 : i32
    %add3A_47 = arith.addi %mul3A_11, %add3A_46 : i32
    %add3A_48 = arith.constant 256 : i32
    %add3A_49 = arith.addi %mul3A_11, %add3A_48 : i32
    "tpu.region"() ({
      %run_scoped3A = tpu.sem_alloc : memref<!tpu.dma_semaphore, #tpu.memory_space<semaphore_mem>>
      %dma_start3A = arith.constant 0 : i32
      %dma_start3A_58 = tpu.memref_slice %arg6[%arg0, %add3A_49, %dma_start3A] : memref<2x10112x128xf32, #tpu.memory_space<hbm>> -> memref<1x128x128xf32, #tpu.memory_space<hbm>>
      %dma_start3A_59 = tpu.memref_squeeze %dma_start3A_58 : memref<1x128x128xf32, #tpu.memory_space<hbm>> -> memref<128x128xf32, #tpu.memory_space<hbm>>
      %dma_start3A_60 = arith.constant 0 : i32
      %dma_start3A_61 = tpu.memref_slice %arg13[%add3A_47, %dma_start3A_60] : memref<10112x128xf32, #tpu.memory_space<vmem_shared>> -> memref<128x128xf32, #tpu.memory_space<vmem_shared>>
      tpu.enqueue_dma source(%dma_start3A_61 : memref<128x128xf32, #tpu.memory_space<vmem_shared>>) target(%dma_start3A_59 : memref<128x128xf32, #tpu.memory_space<hbm>>) target_semaphore(%run_scoped3A : memref<!tpu.dma_semaphore, #tpu.memory_space<semaphore_mem>>)
      %dma_wait3A = arith.constant 0 : i32
      %dma_wait3A_62 = tpu.memref_slice %arg6[%arg0, %add3A_49, %dma_wait3A] : memref<2x10112x128xf32, #tpu.memory_space<hbm>> -> memref<1x128x128xf32, #tpu.memory_space<hbm>>
      %dma_wait3A_63 = tpu.memref_squeeze %dma_wait3A_62 : memref<1x128x128xf32, #tpu.memory_space<hbm>> -> memref<128x128xf32, #tpu.memory_space<hbm>>
      %dma_wait3A_64 = arith.constant 0 : i32
      %dma_wait3A_65 = tpu.memref_slice %arg13[%add3A_47, %dma_wait3A_64] : memref<10112x128xf32, #tpu.memory_space<vmem_shared>> -> memref<128x128xf32, #tpu.memory_space<vmem_shared>>
      tpu.wait_dma2 semaphore(%run_scoped3A : memref<!tpu.dma_semaphore, #tpu.memory_space<semaphore_mem>>) src(%dma_wait3A_65 : memref<128x128xf32, #tpu.memory_space<vmem_shared>>) dst(%dma_wait3A_63 : memref<128x128xf32, #tpu.memory_space<hbm>>)
      tpu.yield
    }) : () -> ()
    %add3A_50 = arith.constant 384 : i32
    %add3A_51 = arith.addi %mul3A_11, %add3A_50 : i32
    %add3A_52 = arith.constant 384 : i32
    %add3A_53 = arith.addi %mul3A_11, %add3A_52 : i32
    "tpu.region"() ({
      %run_scoped3A = tpu.sem_alloc : memref<!tpu.dma_semaphore, #tpu.memory_space<semaphore_mem>>
      %dma_start3A = arith.constant 0 : i32
      %dma_start3A_58 = tpu.memref_slice %arg6[%arg0, %add3A_53, %dma_start3A] : memref<2x10112x128xf32, #tpu.memory_space<hbm>> -> memref<1x128x128xf32, #tpu.memory_space<hbm>>
      %dma_start3A_59 = tpu.memref_squeeze %dma_start3A_58 : memref<1x128x128xf32, #tpu.memory_space<hbm>> -> memref<128x128xf32, #tpu.memory_space<hbm>>
      %dma_start3A_60 = arith.constant 0 : i32
      %dma_start3A_61 = tpu.memref_slice %arg13[%add3A_51, %dma_start3A_60] : memref<10112x128xf32, #tpu.memory_space<vmem_shared>> -> memref<128x128xf32, #tpu.memory_space<vmem_shared>>
      tpu.enqueue_dma source(%dma_start3A_61 : memref<128x128xf32, #tpu.memory_space<vmem_shared>>) target(%dma_start3A_59 : memref<128x128xf32, #tpu.memory_space<hbm>>) target_semaphore(%run_scoped3A : memref<!tpu.dma_semaphore, #tpu.memory_space<semaphore_mem>>)
      %dma_wait3A = arith.constant 0 : i32
      %dma_wait3A_62 = tpu.memref_slice %arg6[%arg0, %add3A_53, %dma_wait3A] : memref<2x10112x128xf32, #tpu.memory_space<hbm>> -> memref<1x128x128xf32, #tpu.memory_space<hbm>>
      %dma_wait3A_63 = tpu.memref_squeeze %dma_wait3A_62 : memref<1x128x128xf32, #tpu.memory_space<hbm>> -> memref<128x128xf32, #tpu.memory_space<hbm>>
      %dma_wait3A_64 = arith.constant 0 : i32
      %dma_wait3A_65 = tpu.memref_slice %arg13[%add3A_51, %dma_wait3A_64] : memref<10112x128xf32, #tpu.memory_space<vmem_shared>> -> memref<128x128xf32, #tpu.memory_space<vmem_shared>>
      tpu.wait_dma2 semaphore(%run_scoped3A : memref<!tpu.dma_semaphore, #tpu.memory_space<semaphore_mem>>) src(%dma_wait3A_65 : memref<128x128xf32, #tpu.memory_space<vmem_shared>>) dst(%dma_wait3A_63 : memref<128x128xf32, #tpu.memory_space<hbm>>)
      tpu.yield
    }) : () -> ()
    %add3A_54 = arith.constant 512 : i32
    %add3A_55 = arith.addi %mul3A_11, %add3A_54 : i32
    %add3A_56 = arith.constant 512 : i32
    %add3A_57 = arith.addi %mul3A_11, %add3A_56 : i32
    "tpu.region"() ({
      %run_scoped3A = tpu.sem_alloc : memref<!tpu.dma_semaphore, #tpu.memory_space<semaphore_mem>>
      %dma_start3A = arith.constant 0 : i32
      %dma_start3A_58 = tpu.memref_slice %arg6[%arg0, %add3A_57, %dma_start3A] : memref<2x10112x128xf32, #tpu.memory_space<hbm>> -> memref<1x120x128xf32, #tpu.memory_space<hbm>>
      %dma_start3A_59 = tpu.memref_squeeze %dma_start3A_58 : memref<1x120x128xf32, #tpu.memory_space<hbm>> -> memref<120x128xf32, #tpu.memory_space<hbm>>
      %dma_start3A_60 = arith.constant 0 : i32
      %dma_start3A_61 = tpu.memref_slice %arg13[%add3A_55, %dma_start3A_60] : memref<10112x128xf32, #tpu.memory_space<vmem_shared>> -> memref<120x128xf32, #tpu.memory_space<vmem_shared>>
      tpu.enqueue_dma source(%dma_start3A_61 : memref<120x128xf32, #tpu.memory_space<vmem_shared>>) target(%dma_start3A_59 : memref<120x128xf32, #tpu.memory_space<hbm>>) target_semaphore(%run_scoped3A : memref<!tpu.dma_semaphore, #tpu.memory_space<semaphore_mem>>)
      %dma_wait3A = arith.constant 0 : i32
      %dma_wait3A_62 = tpu.memref_slice %arg6[%arg0, %add3A_57, %dma_wait3A] : memref<2x10112x128xf32, #tpu.memory_space<hbm>> -> memref<1x120x128xf32, #tpu.memory_space<hbm>>
      %dma_wait3A_63 = tpu.memref_squeeze %dma_wait3A_62 : memref<1x120x128xf32, #tpu.memory_space<hbm>> -> memref<120x128xf32, #tpu.memory_space<hbm>>
      %dma_wait3A_64 = arith.constant 0 : i32
      %dma_wait3A_65 = tpu.memref_slice %arg13[%add3A_55, %dma_wait3A_64] : memref<10112x128xf32, #tpu.memory_space<vmem_shared>> -> memref<120x128xf32, #tpu.memory_space<vmem_shared>>
      tpu.wait_dma2 semaphore(%run_scoped3A : memref<!tpu.dma_semaphore, #tpu.memory_space<semaphore_mem>>) src(%dma_wait3A_65 : memref<120x128xf32, #tpu.memory_space<vmem_shared>>) dst(%dma_wait3A_63 : memref<120x128xf32, #tpu.memory_space<hbm>>)
      tpu.yield
    }) : () -> ()
    "tpu.region"() ({
      %run_scoped3A = tpu.sem_alloc : memref<!tpu.dma_semaphore, #tpu.memory_space<semaphore_mem>>
      %dma_start3A = arith.constant 0 : i32
      %dma_start3A_58 = tpu.memref_slice %arg7[%add3A, %dma_start3A] : memref<32x10112xf32, #tpu.memory_space<hbm>> -> memref<1x10112xf32, #tpu.memory_space<hbm>>
      %dma_start3A_59 = tpu.memref_squeeze %dma_start3A_58 : memref<1x10112xf32, #tpu.memory_space<hbm>> -> memref<10112xf32, #tpu.memory_space<hbm>>
      %dma_start3A_60 = arith.constant 0 : i32
      %dma_start3A_61 = tpu.memref_slice %arg7[%add3A, %dma_start3A_60] : memref<32x10112xf32, #tpu.memory_space<hbm>> -> memref<1x10112xf32, #tpu.memory_space<hbm>>
      %dma_start3A_62 = tpu.memref_squeeze %dma_start3A_61 : memref<1x10112xf32, #tpu.memory_space<hbm>> -> memref<10112xf32, #tpu.memory_space<hbm>>
      tpu.enqueue_dma source(%arg12 : memref<10112xf32, #tpu.memory_space<vmem>>) target(%dma_start3A_62 : memref<10112xf32, #tpu.memory_space<hbm>>) target_semaphore(%run_scoped3A : memref<!tpu.dma_semaphore, #tpu.memory_space<semaphore_mem>>)
      %dma_wait3A = arith.constant 0 : i32
      %dma_wait3A_63 = tpu.memref_slice %arg7[%add3A, %dma_wait3A] : memref<32x10112xf32, #tpu.memory_space<hbm>> -> memref<1x10112xf32, #tpu.memory_space<hbm>>
      %dma_wait3A_64 = tpu.memref_squeeze %dma_wait3A_63 : memref<1x10112xf32, #tpu.memory_space<hbm>> -> memref<10112xf32, #tpu.memory_space<hbm>>
      %dma_wait3A_65 = arith.constant 0 : i32
      %dma_wait3A_66 = tpu.memref_slice %arg7[%add3A, %dma_wait3A_65] : memref<32x10112xf32, #tpu.memory_space<hbm>> -> memref<1x10112xf32, #tpu.memory_space<hbm>>
      %dma_wait3A_67 = tpu.memref_squeeze %dma_wait3A_66 : memref<1x10112xf32, #tpu.memory_space<hbm>> -> memref<10112xf32, #tpu.memory_space<hbm>>
      tpu.wait_dma2 semaphore(%run_scoped3A : memref<!tpu.dma_semaphore, #tpu.memory_space<semaphore_mem>>) src(%arg12 : memref<10112xf32, #tpu.memory_space<vmem>>) dst(%dma_wait3A_67 : memref<10112xf32, #tpu.memory_space<hbm>>)
      tpu.yield
    }) : () -> ()
    return
  }
}

</mosaic_0001>

<sc_bundles>
// kernel: _sc_segsum.3.cloned.1.call-start
scs
__scs_entry_jumppad:
0x0: {  	(pc) =	sbr.rel $0x88, $3  }
0x1: {  	(tag) =	ssettag $0x0;
	lr =	simm.s32 $0x1  }
0x2: {  	[smem:$0x3F9D] =	sst lr;
	_ =	strace $0xD0000000  }
0x3: {  	_ = 	snop  }
0x4: {  	_ = 	snop  }
0x5: {  	_ = 	snop  }
0x6: {  	_ = 	snop  }
0x7: {  	_ = 	snop  }
__scs_overlays_trampoline_lowered:
0x8: {  	[smem:$0x3FAC] =	sst s0  }
0x9: {  	[smem:$0x3FAD] =	sst s1  }
0xa: {  	[smem:$0x3FAE] =	sst s2  }
0xb: {  	[smem:$0x3FAF] =	sst s3  }
0xc: {  	[smem:$0x3FB0] =	sst s4  }
0xd: {  	[smem:$0x3FB1] =	sst s5  }
0xe: {  	[smem:$0x3FB2] =	sst s6  }
0xf: {  	[smem:$0x3FB3] =	sst s7  }
0x10: {  	[smem:$0x3FB4] =	sst s8  }
0x11: {  	[smem:$0x3FB5] =	sst s9;
	s0 =	simm.s32 @!p0 $0x0  }
0x12: {  	s1 =	sld [smem:$0x3F9B];
	s0 =	simm.s32 @p0 $0x1  }
0x13: {  	[smem:$0x3FB6] =	sst s0;
	s0 =	simm.s32 @!p1 $0x0  }
0x14: {  	s2 =	sld [smem:$0x3F9A];
	s0 =	simm.s32 @p1 $0x1  }
0x15: {  	[smem:$0x3FB7] =	sst s0;
	s0 =	simm.s32 @!p2 $0x0  }
0x16: {  	s3 =	sld [smem:$0x3FDB];
	s0 =	simm.s32 @p2 $0x1  }
0x17: {  	s4 =	simm.s32 $0x1BF5;
	[smem:$0x3FB9] =	sst s0  }
0x18: {  	s0 =	sld [smem:$0x3F9C];
	_ =	swait.ge [sflag:s4], $0x0  }
0x19: {  	s7 =	sld [smem:$0x3F9D]  }
0x1a: {  	s8 =	sadd.s32 $0xFFFFE003, lr  }
0x1b: {  	s9 =	sadd.s32 $0xFFFFFEF7, lr;
	s5 =	simm.s32 $0xFFFFFFFF;
	p2 =	slt.u32 s8, $0xFFFFF086  }
0x1c: {  	p1 =	slt.u32 s9, $0xF7A;
	s5 =	simm.s32 @!p2 $0x0  }
0x1d: {  	s5 =	simm.s32 @p1 $0x1;
	p0 =	seq.s32 s7, s2  }
0x1e: {  	s7 =	smul.u32 @!p0 $0xF7A, s2;
	p2 =	seq.s32 @!p0 s5, $0x0  }
0x1f: {  	s9 =	smul.u32 $0xF7A, s1;
	s8 =	simm.s32 @!p0 $0x1BF5;
	p2 =	por !p2, p0  }
0x20: {  	[sflag:s8] =	ssyncset.s32 @!p0 $0xFFFFF086;
	s6 =	sadd.s32 @!p0 s3, s7;
	s7 =	simm.s32 @!p0 $0x108  }
0x21: {  	s3 =	sadd.s32 s3, s9;
	s6 =	sadd.s32 @!p0 $0x88, s6;
	s7 =	simm.s32 @p2 $0x1082  }
0x22: {  	[simem:s7], [sflag:s8] =	dma.local @!p0 [hbm:s6], $0xF7A  }
0x23: {  	s9 =	sor.u32 $0xD0000000, s2;
	s6 =	simm.s32 $0x108;
	_ =	swait.ge @!p0 [sflag:s8], $0x0  }
0x24: {  	s3 =	sadd.s32 $0x88, s3;
	s6 =	simm.s32 @!p1 $0x1082;
	[sflag:s4] =	ssyncset.s32 $0xFFFFF086  }
0x25: {  	[simem:s6], [sflag:s4] =	dma.local [hbm:s3], $0xF7A  }
0x26: {  	[smem:$0x3F9D] =	sst s1;
	(tag) =	ssettag s2;
	_ =	strace s9  }
0x27: {  	s1 =	sld [smem:$0x3FAD]  }
0x28: {  	s2 =	sld [smem:$0x3FAE]  }
0x29: {  	s4 =	sld [smem:$0x3FB0]  }
0x2a: {  	p0 =	seq.s32 s5, $0x0;
	s5 =	sld [smem:$0x3FB1]  }
0x2b: {  	s6 =	sld [smem:$0x3FB2]  }
0x2c: {  	s7 =	sld [smem:$0x3FB3]  }
0x2d: {  	s3 =	simm.s32 $0x108;
	s8 =	sld [smem:$0x3FB4]  }
0x2e: {  	s3 =	simm.s32 @!p0 $0x1082;
	s9 =	sld [smem:$0x3FB5]  }
0x2f: {  	lr =	sadd.s32 s0, s3;
	s0 =	sld [smem:$0x3FAC]  }
0x30: {  	s3 =	sld [smem:$0x3FAF]  }
0x31: {  	[smem:$0x3FB8] =	sst s10  }
0x32: {  	s10 =	sld [smem:$0x3FB6];
	_ =	sdelay $0x3  }
0x33: {  	p0 =	seq.s32 s10, $0x1;
	s10 =	sld [smem:$0x3FB8];
	_ =	sdelay $0x3  }
0x34: {  	[smem:$0x3FB8] =	sst s10  }
0x35: {  	s10 =	sld [smem:$0x3FB7];
	_ =	sdelay $0x3  }
0x36: {  	p1 =	seq.s32 s10, $0x1;
	s10 =	sld [smem:$0x3FB8];
	_ =	sdelay $0x3  }
0x37: {  	[smem:$0x3FB8] =	sst s10  }
0x38: {  	s10 =	sld [smem:$0x3FB9]  }
0x39: {  	_ = 	snop;
	(pc) =	sbr.ind lr, $3  }
0x3a: {  	_ = 	snop  }
0x3b: {  	_ = 	snop  }
0x3c: {  	p2 =	seq.s32 s10, $0x1;
	s10 =	sld [smem:$0x3FB8]  }
0x3d: {  	_ =	shalt  }
0x3e: {  	_ =	shalt  }
0x3f: {  	_ =	shalt  }
0x40: {  	_ =	shalt  }
0x41: {  	_ =	shalt  }
0x42: {  	_ =	shalt  }
0x43: {  	_ =	shalt  }
0x44: {  	_ =	shalt  }
0x45: {  	_ =	shalt  }
0x46: {  	_ =	shalt  }
0x47: {  	_ =	shalt  }
0x48: {  	_ =	shalt  }
0x49: {  	_ =	shalt  }
0x4a: {  	_ =	shalt  }
0x4b: {  	_ =	shalt  }
0x4c: {  	_ =	shalt  }
0x4d: {  	_ =	shalt  }
0x4e: {  	_ =	shalt  }
0x4f: {  	_ =	shalt  }
0x50: {  	_ =	shalt  }
0x51: {  	_ =	shalt  }
0x52: {  	_ =	shalt  }
0x53: {  	_ =	shalt  }
0x54: {  	_ =	shalt  }
0x55: {  	_ =	shalt  }
0x56: {  	_ =	shalt  }
0x57: {  	_ =	shalt  }
0x58: {  	_ =	shalt  }
0x59: {  	_ =	shalt  }
0x5a: {  	_ =	shalt  }
0x5b: {  	_ =	shalt  }
0x5c: {  	_ =	shalt  }
0x5d: {  	_ =	shalt  }
0x5e: {  	_ =	shalt  }
0x5f: {  	_ =	shalt  }
0x60: {  	_ =	shalt  }
0x61: {  	_ =	shalt  }
0x62: {  	_ =	shalt  }
0x63: {  	_ =	shalt  }
0x64: {  	_ =	shalt  }
0x65: {  	_ =	shalt  }
0x66: {  	_ =	shalt  }
0x67: {  	_ =	shalt  }
0x68: {  	_ =	shalt  }
0x69: {  	_ =	shalt  }
0x6a: {  	_ =	shalt  }
0x6b: {  	_ =	shalt  }
0x6c: {  	_ =	shalt  }
0x6d: {  	_ =	shalt  }
0x6e: {  	_ =	shalt  }
0x6f: {  	_ =	shalt  }
0x70: {  	_ =	shalt  }
0x71: {  	_ =	shalt  }
0x72: {  	_ =	shalt  }
0x73: {  	_ =	shalt  }
0x74: {  	_ =	shalt  }
0x75: {  	_ =	shalt  }
0x76: {  	_ =	shalt  }
0x77: {  	_ =	shalt  }
0x78: {  	_ =	shalt  }
0x79: {  	_ =	shalt  }
0x7a: {  	_ =	shalt  }
0x7b: {  	_ =	shalt  }
0x7c: {  	_ =	shalt  }
0x7d: {  	_ =	shalt  }
0x7e: {  	_ =	shalt  }
0x7f: {  	_ =	shalt  }
0x80: {  	_ =	shalt  }
0x81: {  	_ =	shalt  }
0x82: {  	_ =	shalt  }
0x83: {  	_ =	shalt  }
0x84: {  	_ =	shalt  }
0x85: {  	_ =	shalt  }
0x86: {  	_ =	shalt  }
0x87: {  	_ =	shalt  }
.Lfunc_end0:
.L_simem_size_0:
called_computation_lowered:
.L_overlay_start_0:
0x88: {  	s2 =	sld [smem:$0x3FD9]  }
0x89: {  	s3 =	sld [smem:$0x3FFE];
	_ =	sdelay $0x1  }
0x8a: {  	s1 =	srdreg.scid  }
0x8b: {  	s0 =	sand.u32 $0x1, s1  }
0x8c: {  	s15 =	sshll.u32 s0, $0xA;
	s2 =	sadd.s32 s3, s2  }
0x8d: {  	s2 =	sadd.s32 s2, s15  }
0x8e: {  	[smem:$0x3FC4] =	sst s2  }
0x8f: {  	_ = 	snop  }
0x90: {  	s2 =	sld [smem:$0x3FC9]  }
0x91: {  	s16 =	sld [smem:$0x3FD0]  }
0x92: {  	s4 =	sld [smem:$0x3FC8]  }
0x93: {  	s5 =	sld [smem:$0x3FC7]  }
0x94: {  	s7 =	simm.s32 $0xA;
	s8 =	simm.s32 $0x10;
	s6 =	sld [smem:$0x3FC6]  }
0x95: {  	[smem:s8], [sflag:s7] =	dma.local [hbm:s16], $0x1  }
0x96: {  	_ =	swait.eq [sflag:s7], $0x1  }
0x97: {  	[sflag:s7] =	ssyncset.done $0x0  }
0x98: {  	s17 =	sld [smem:$0x10];
	[sflag:s7] =	ssyncadd.s32 $0xFFFFFFFF  }
0x99: {  	s18 =	sld [smem:$0x11];
	(tm) =	ssettm $0x1  }
0x9a: {  	s19 =	sld [smem:$0x3FFB];
	_ =	sdelay $0x3  }
0x9b: {  	_ =	strace s19  }
0x9c: {  	s8 =	sld [smem:$0x3FFC];
	_ =	sdelay $0x3  }
0x9d: {  	_ =	strace s8  }
0x9e: {  	s8 =	sld [smem:$0x3FFD];
	_ =	sdelay $0x3  }
0x9f: {  	_ =	strace s8  }
0xa0: {  	_ =	strace $0x8FFFFFFF  }
0xa1: {  	s20 =	sld [smem:$0x3FDB];
	_ =	sdelay $0x1  }
0xa2: {  	s9 =	simm.s32 $_scs_section_size  }
0xa3: {  	s10 =	simm.s32 $_size__tile_overlayer_lowered;
	s11 =	simm.s32 $_tile_overlayer_lowered  }
0xa4: {  	s23 =	simm.s32 $0x1BFF;
	s22 =	sshll.u32 s11, $0x1;
	s8 =	sadd.s32 s9, s20  }
0xa5: {  	s12 =	simm.s32 $0x0;
	s21 =	sshll.u32 s10, $0x1;
	s10 =	sadd.s32 s22, s8  }
0xa6: {  	[timem:s12], [sflag:s23] =	dma.local [hbm:s10], s21  }
0xa7: {  	_ =	swait.ge [sflag:s23], s21  }
0xa8: {  	s9 =	ssub.s32 $0x0, s21;
	[sflag:s23] =	ssyncset.done $0x0  }
0xa9: {  	[sflag:s23] =	ssyncadd.s32 s9;
	_ =	sdelay $0x1  }
0xaa: {  	s24 =	simm.s32 $0x1B8B  }
0xab: {  	_ =	swait.ge [sflag:s24], $0x1  }
0xac: {  	[sflag:s24] =	ssyncset.done $0x0  }
0xad: {  	s25 =	simm.s32 $0x1B8E;
	[sflag:s24] =	ssyncadd.s32 $0xFFFFFFFF  }
0xae: {  	s26 =	simm.s32 $execute0_lowered;
	[smem:$0x3FD2] =	sst s25  }
0xaf: {  	s9 =	sshll.u32 s26, $0x1;
	_ =	strace $0x80000046;
	[dreg:$0x1] =	wrdreg $0xFFFFFFFF  }
0xb0: {  	s28 =	simm.s32 $_size_execute0_lowered;
	s8 =	sadd.s32 s8, s9;
	[dreg:$0x0] =	wrdreg $0x0  }
0xb1: {  	s9 =	sshll.u32 s28, $0x1;
	[dreg:$0x2] =	wrdreg s8  }
0xb2: {  	[dreg:$0x3] =	wrdreg s9  }
0xb3: {  	[dreg:$0x4] =	wrdreg $0xC0  }
0xb4: {  	_ =	task [dreg:s12], $0x5FFFF  }
0xb5: {  	[dreg:$0x1] =	wrdreg $0xFFFFFFFF  }
0xb6: {  	[dreg:$0x0] =	wrdreg $0x60  }
0xb7: {  	[dreg:$0x2] =	wrdreg s2  }
0xb8: {  	[dreg:$0x3] =	wrdreg s4  }
0xb9: {  	[dreg:$0x4] =	wrdreg s5  }
0xba: {  	[dreg:$0x5] =	wrdreg s6  }
0xbb: {  	[dreg:$0x6] =	wrdreg s17  }
0xbc: {  	[dreg:$0x7] =	wrdreg s18  }
0xbd: {  	[dreg:$0x8] =	wrdreg $0x93000  }
0xbe: {  	[dreg:$0x9] =	wrdreg $0x9  }
0xbf: {  	_ =	task.clear_ibuf [dreg:s12], $0xAFFFF;
	_ =	strace $0x90000046  }
0xc0: {  	s29 =	simm.s32 $0x9;
	_ =	strace $0x80000048  }
0xc1: {  	_ =	swait.ge [sflag:s29], $0x1  }
0xc2: {  	[sflag:s29] =	ssyncadd.s32 $0xFFFFFFFF  }
0xc3: {  	_ =	strace $0x90000048  }
0xc4: {  	_ =	sfence  }
0xc5: {  	s30 =	sld [smem:$0x0];
	_ =	sdelay $0x2  }
0xc6: {  	s31 =	sshll.u32 s1, $0xD;
	s1 =	sshrl.u32 s1, $0x2  }
0xc7: {  	s3 =	sand.u32 $0x4000, s31;
	s1 =	sadd.s32 s1, s30  }
0xc8: {  	s0 =	sor.u32 s3, s0;
	s1 =	sshll.u32 s1, $0x11  }
0xc9: {  	s0 =	sor.u32 s1, s0  }
0xca: {  	s0 =	sadd.s32 $0x8F2B, s0  }
0xcb: {  	[sflag:s0] =	ssyncadd.remote.s32 $0x1  }
0xcc: {  	_ =	sfence.sel $0xFFFF  }
0xcd: {  	[dreg:$0x0] =	wrdreg $0xFFFFFFFF;
	(pc) =	sbr.abs _section_cstart, $3  }
0xce: {  	[dreg:$0x1] =	wrdreg $0xFFFFFFFF  }
0xcf: {  	_ =	task.clear_ibuf [dreg:s12], $0x2FFFF;
	_ =	strace $0x9FFFFFFF  }
0xd0: {  	(tm) =	ssettm $0x7FFFFFFF  }
0xd1: {  	_ =	shalt  }
tec
execute0_lowered:
.L_overlay_start_1:
0x0: {  	(tag) =	ssettag $0x1  }
0x1: {  	s0 =	rddreg [dreg:$0x0]  }
0x2: {  	s3 =	rddreg [dreg:$0x2]  }
0x3: {  	s4 =	rddreg [dreg:$0x3]  }
0x4: {  	s1 =	rddreg [dreg:$0x4]  }
0x5: {  	s2 =	rddreg [dreg:$0x5]  }
0x6: {  	s6 =	rddreg [dreg:$0x6]  }
0x7: {  	s5 =	srdreg.scid;
	s7 =	simm.s32 $0x0;
	s21 =	stileid.u32  }
0x8: {  	s28 =	simm.s32 $0x80;
	s29 =	simm.s32 $0x6B80;
	s30 =	simm.s32 $0x1  }
0x9: {  	s31 =	simm.s32 $0x280;
	s5 =	sand.u32 $0x1, s5;
	s9 =	smul.u32 $0x4F000, s21  }
0xa: {  	[smem:$0x7FF] =	sst s7;
	s11 =	sshll.u32 s21, $0x1;
	s12 =	smul.u32 $0x13C00, s21  }
0xb: {  	s25 =	sshrl.u32 s21, $0x2;
	s8 =	ssub.s32 $0x2, s5;
	s17 =	smul.u32 $0x13C000, s5  }
0xc: {  	_ =	strace $0x80000047;
	s14 =	sor.u32 s5, s11;
	s26 =	smul.u32 $0x13C00, s25  }
0xd: {  	s25 =	sshll.u32 s21, $0xA;
	s10 =	sshrl.u32 s8, $0x1;
	s9 =	sshrl.u32 s9, $0x2  }
0xe: {  	s15 =	sadd.s32 $0x4000, s12;
	s16 =	sadd.s32 $0x8000, s12;
	s18 =	sadd.s32 $0xC000, s12  }
0xf: {  	s19 =	sadd.s32 $0x10000, s12;
	s13 =	ssub.s32 s8, s10;
	s8 =	sadd.s32 s9, s6  }
0x10: {  	s9 =	sadd.s32 s15, s6;
	s10 =	sadd.s32 s16, s6;
	s11 =	sadd.s32 s18, s6  }
0x11: {  	s20 =	sadd.s32 s12, s17;
	s12 =	sadd.s32 s19, s6;
	s15 =	sadd.s32 s17, s15  }
0x12: {  	s16 =	sadd.s32 s17, s16;
	s18 =	sadd.s32 s17, s18;
	s17 =	sadd.s32 s17, s19  }
0x13: {  	s20 =	sshrl.u32 s20, $0x3;
	s15 =	sshrl.u32 s15, $0x3;
	s24 =	sshrl.u32 s16, $0x3  }
0x14: {  	s18 =	sshrl.u32 s18, $0x3;
	s17 =	sshrl.u32 s17, $0x3;
	s20 =	sadd.s32 s1, s20  }
0x15: {  	s19 =	smax.u32 s13, $0x1;
	s15 =	sadd.s32 s1, s15;
	[dreg:$0x8] =	wrdreg s20  }
0x16: {  	s13 =	simm.s32 $0x380;
	s22 =	sadd.s32 s1, s18;
	[dreg:$0x9] =	wrdreg s15  }
0x17: {  	s15 =	sadd.s32 s1, s24;
	s20 =	sshll.u32 s14, $0x7;
	[dreg:$0xb] =	wrdreg s22  }
0x18: {  	s1 =	sadd.s32 s1, s17;
	s24 =	ssub.s32 $0x290, s14;
	s22 =	simm.s32 $0x4400  }
0x19: {  	s14 =	simm.s32 $0x0;
	[dreg:$0xa] =	wrdreg s15;
	s16 =	sand.u32 $0x380, s20  }
0x1a: {  	[dreg:$0xc] =	wrdreg s1;
	s15 =	sor.u32 s26, s16;
	s16 =	sshrl.u32 s24, $0x5  }
0x1b: {  	s26 =	sshll.u32 s5, $0x9;
	s24 =	simm.s32 $0x3;
	s5 =	simm.s32 $0x180  }
0x1c: {  	s23 =	sshrl.u32 s15, $0x3;
	s15 =	sor.u32 s26, s25;
	s25 =	simm.s32 $0x2  }
0x1d: {  	s26 =	simm.s32 $0x200;
	s1 =	sadd.s32 s2, s23;
	s23 =	simm.s32 $0x400  }
0x1e: {  	v0 =	vimm.f32 $0.0e+00;
	s2 =	simm.s32 $0x300;
	[dreg:$0xd] =	wrdreg s1;
	s1 =	simm.s32 $0x100  }
.LBB2_1:
0x1f: {  	s17 =	rddreg [dreg:$0x1];
	s20 =	simm.s32 $0x0;
	s21 =	simm.s32 $0x200  }
0x20: {  	[tilespmem:s22], [sflag:$0x2] =	stream.linear.gather [hbm4b:s17+s7], $0x2780, $0x38;
	[tilespmem:$0x1CF00] =	vst v63  }
.LBB2_2:
0x21: {  	p0 =	sne.s32 s21, $0xFE00;
	[tilespmem:s20+$0x470] =	vst v0  }
0x22: {  	[tilespmem:s20+$0x400] =	vst v0  }
0x23: {  	[tilespmem:s20+$0x410] =	vst v0  }
.Ltmp0:
0x24: {  	[tilespmem:s20+$0x420] =	vst v0;
	(pc) =	sbr.rel @p0 .LBB2_2-.Ltmp0, $4  }
0x25: {  	[tilespmem:s20+$0x430] =	vst v0  }
0x26: {  	[tilespmem:s20+$0x440] =	vst v0  }
0x27: {  	[tilespmem:s20+$0x450] =	vst v0  }
0x28: {  	[tilespmem:s20+$0x460] =	vst v0;
	s20 =	sshra.s32 s21, $0x2;
	s21 =	sadd.s32 $0x200, s21  }
0x29: {  	[tilespmem:s20+$0x470] =	vst v0  }
0x2a: {  	[tilespmem:s20+$0x400] =	vst v0  }
0x2b: {  	[tilespmem:s20+$0x410] =	vst v0  }
0x2c: {  	[tilespmem:s20+$0x420] =	vst v0  }
0x2d: {  	[tilespmem:s20+$0x430] =	vst v0  }
0x2e: {  	[tilespmem:s20+$0x440] =	vst v0  }
0x2f: {  	[tilespmem:s20+$0x450] =	vst v0  }
0x30: {  	[tilespmem:s20+$0x460] =	vst v0;
	s20 =	simm.s32 $0x40;
	s21 =	simm.s32 $0x0  }
.LBB2_4:
0x31: {  	p0 =	sne.s32 s20, $0x9DC0;
	[tilespmem:s21+$0x6B80] =	vst v0;
	s21 =	smov.u32 s20;
	s20 =	sadd.s32 $0x40, s20  }
.Ltmp1:
0x32: {  	(pc) =	sbr.rel @p0 .LBB2_4-.Ltmp1, $2  }
0x33: {  	_ =	sdelay $0x2  }
0x34: {  	s21 =	sshra.s32 s21, $0x2  }
0x35: {  	[tilespmem:s21+$0x6B80] =	vst v0  }
0x36: {  	[spmem:s8] =	stream.linear.scatter [tilespmem:s23], [sflag:$0x3], $0x4000, $0x38;
	[tilespmem:$0x1CF00] =	vst v63  }
0x37: {  	_ =	swait.ge [sflag:s24], $0x4000  }
0x38: {  	[sflag:s24] =	ssyncset.done $0x0  }
0x39: {  	[sflag:s24] =	ssyncadd.s32 $0xFFFFC000  }
0x3a: {  	[spmem:s9] =	stream.linear.scatter [tilespmem:s23], [sflag:$0x3], $0x4000, $0x38;
	[tilespmem:$0x1CF00] =	vst v63  }
0x3b: {  	_ =	swait.ge [sflag:s24], $0x4000  }
0x3c: {  	[sflag:s24] =	ssyncset.done $0x0  }
0x3d: {  	[sflag:s24] =	ssyncadd.s32 $0xFFFFC000  }
0x3e: {  	[spmem:s10] =	stream.linear.scatter [tilespmem:s23], [sflag:$0x3], $0x4000, $0x38;
	[tilespmem:$0x1CF00] =	vst v63  }
0x3f: {  	_ =	swait.ge [sflag:s24], $0x4000  }
0x40: {  	[sflag:s24] =	ssyncset.done $0x0  }
0x41: {  	[sflag:s24] =	ssyncadd.s32 $0xFFFFC000  }
0x42: {  	[spmem:s11] =	stream.linear.scatter [tilespmem:s23], [sflag:$0x3], $0x4000, $0x38;
	[tilespmem:$0x1CF00] =	vst v63  }
0x43: {  	_ =	swait.ge [sflag:s24], $0x4000  }
0x44: {  	[sflag:s24] =	ssyncset.done $0x0  }
0x45: {  	[sflag:s24] =	ssyncadd.s32 $0xFFFFC000  }
0x46: {  	[spmem:s12] =	stream.linear.scatter [tilespmem:s23], [sflag:$0x3], $0x3C00, $0x38;
	[tilespmem:$0x1CF00] =	vst v63  }
0x47: {  	_ =	swait.ge [sflag:s24], $0x3C00  }
0x48: {  	[sflag:s24] =	ssyncset.done $0x0  }
0x49: {  	[sflag:s24] =	ssyncadd.s32 $0xFFFFC400  }
0x4a: {  	_ =	swait.ge [sflag:s25], $0x2780  }
0x4b: {  	[sflag:s25] =	ssyncset.done $0x0  }
0x4c: {  	[sflag:s25] =	ssyncadd.s32 $0xFFFFD880  }
0x4d: {  	s21 =	smov.u32 s15;
	s20 =	smov.u32 s16;
	[bflag:$0x0] =	sbarrier.arrive $0xFFFF  }
.LBB2_6:
0x4e: {  	s17 =	sshrl.u32 s21, $0x3  }
0x4f: {  	s18 =	sadd.s32 s3, s17  }
0x50: {  	[tilespmem:s7], [sflag:$0x3] =	stream.linear.gather [hbm4b:s18+s7], $0x200, $0x38;
	[tilespmem:$0x1CF00] =	vst v63  }
0x51: {  	_ =	swait.ge [sflag:s24], $0x200  }
0x52: {  	[sflag:s24] =	ssyncset.done $0x0  }
0x53: {  	s17 =	sadd.s32 s4, s17;
	[sflag:s24] =	ssyncadd.s32 $0xFFFFFE00  }
0x54: {  	[tilespmem:s26], [sflag:$0x3] =	stream.linear.gather [hbm4b:s17+s7], $0x200, $0x38;
	[tilespmem:$0x1CF00] =	vst v63  }
0x55: {  	_ =	swait.ge [sflag:s24], $0x200  }
0x56: {  	[sflag:s24] =	ssyncset.done $0x0  }
0x57: {  	[sflag:s24] =	ssyncadd.s32 $0xFFFFFE00  }
0x58: {  	[tilespmem:s23], [sflag:$0x1] =	stream.indirect.gather [hbm4b:s0+s28], $0x80, s7, s28, $0xb8;
	[tilespmem:$0x1CF00] =	vst v63  }
0x59: {  	v1 =	vld [tilespmem:$0x0];
	_ =	sdelay $0x4  }
0x5a: {  	v2 =	vld [tilespmem:$0x200];
	_ =	sdelay $0x2  }
0x5b: {  	v1 =	vld.idx.msk [tilespmem:v1+s22+$0x0], $0xffff;
	_ =	sdelay $0x4  }
0x5c: {  	[tilespmem:v2+s29+$0x0] =	vst.idx.add.f32.msk $0xffff, v1  }
0x5d: {  	v1 =	vld [tilespmem:$0x10];
	_ =	sdelay $0x4  }
0x5e: {  	v2 =	vld [tilespmem:$0x210];
	_ =	sdelay $0x2  }
0x5f: {  	v1 =	vld.idx.msk [tilespmem:v1+s22+$0x0], $0xffff;
	_ =	sdelay $0x4  }
0x60: {  	[tilespmem:v2+s29+$0x0] =	vst.idx.add.f32.msk $0xffff, v1  }
0x61: {  	v1 =	vld [tilespmem:$0x20];
	_ =	sdelay $0x4  }
0x62: {  	v2 =	vld [tilespmem:$0x220];
	_ =	sdelay $0x2  }
0x63: {  	v1 =	vld.idx.msk [tilespmem:v1+s22+$0x0], $0xffff;
	_ =	sdelay $0x4  }
0x64: {  	[tilespmem:v2+s29+$0x0] =	vst.idx.add.f32.msk $0xffff, v1  }
0x65: {  	v1 =	vld [tilespmem:$0x30];
	_ =	sdelay $0x4  }
0x66: {  	v2 =	vld [tilespmem:$0x230];
	_ =	sdelay $0x2  }
0x67: {  	v1 =	vld.idx.msk [tilespmem:v1+s22+$0x0], $0xffff;
	_ =	sdelay $0x4  }
0x68: {  	[tilespmem:v2+s29+$0x0] =	vst.idx.add.f32.msk $0xffff, v1  }
0x69: {  	v1 =	vld [tilespmem:$0x40];
	_ =	sdelay $0x4  }
0x6a: {  	v2 =	vld [tilespmem:$0x240];
	_ =	sdelay $0x2  }
0x6b: {  	v1 =	vld.idx.msk [tilespmem:v1+s22+$0x0], $0xffff;
	_ =	sdelay $0x4  }
0x6c: {  	[tilespmem:v2+s29+$0x0] =	vst.idx.add.f32.msk $0xffff, v1  }
0x6d: {  	v1 =	vld [tilespmem:$0x50];
	_ =	sdelay $0x4  }
0x6e: {  	v2 =	vld [tilespmem:$0x250];
	_ =	sdelay $0x2  }
0x6f: {  	v1 =	vld.idx.msk [tilespmem:v1+s22+$0x0], $0xffff;
	_ =	sdelay $0x4  }
0x70: {  	[tilespmem:v2+s29+$0x0] =	vst.idx.add.f32.msk $0xffff, v1  }
0x71: {  	v1 =	vld [tilespmem:$0x60];
	_ =	sdelay $0x4  }
0x72: {  	v2 =	vld [tilespmem:$0x260];
	_ =	sdelay $0x2  }
0x73: {  	v1 =	vld.idx.msk [tilespmem:v1+s22+$0x0], $0xffff;
	_ =	sdelay $0x4  }
0x74: {  	[tilespmem:v2+s29+$0x0] =	vst.idx.add.f32.msk $0xffff, v1  }
0x75: {  	v1 =	vld [tilespmem:$0x70];
	_ =	sdelay $0x4  }
0x76: {  	v2 =	vld [tilespmem:$0x270];
	_ =	sdelay $0x2  }
0x77: {  	v1 =	vld.idx.msk [tilespmem:v1+s22+$0x0], $0xffff;
	_ =	sdelay $0x4  }
0x78: {  	[tilespmem:v2+s29+$0x0] =	vst.idx.add.f32.msk $0xffff, v1  }
0x79: {  	_ =	swait.ge [sflag:s30], $0x4000  }
0x7a: {  	[sflag:s30] =	ssyncset.done $0x0  }
0x7b: {  	[sflag:s30] =	ssyncadd.s32 $0xFFFFC000  }
0x7c: {  	[spmem:s6] =	stream.indirect.scatter.add.f32 [tilespmem:s23], [sflag:$0x3], $0x80, s26, s28, $0xb8;
	[tilespmem:$0x1CF00] =	vst v63  }
0x7d: {  	_ =	swait.ge [sflag:s24], $0x4000  }
0x7e: {  	[sflag:s24] =	ssyncset.done $0x0  }
0x7f: {  	[sflag:s24] =	ssyncadd.s32 $0xFFFFC000  }
0x80: {  	[tilespmem:s23], [sflag:$0x1] =	stream.indirect.gather [hbm4b:s0+s28], $0x80, s28, s28, $0xb8;
	[tilespmem:$0x1CF00] =	vst v63  }
0x81: {  	v1 =	vld [tilespmem:$0x80];
	_ =	sdelay $0x4  }
0x82: {  	v2 =	vld [tilespmem:$0x280];
	_ =	sdelay $0x2  }
0x83: {  	v1 =	vld.idx.msk [tilespmem:v1+s22+$0x0], $0xffff;
	_ =	sdelay $0x4  }
0x84: {  	[tilespmem:v2+s29+$0x0] =	vst.idx.add.f32.msk $0xffff, v1  }
0x85: {  	v1 =	vld [tilespmem:$0x90];
	_ =	sdelay $0x4  }
0x86: {  	v2 =	vld [tilespmem:$0x290];
	_ =	sdelay $0x2  }
0x87: {  	v1 =	vld.idx.msk [tilespmem:v1+s22+$0x0], $0xffff;
	_ =	sdelay $0x4  }
0x88: {  	[tilespmem:v2+s29+$0x0] =	vst.idx.add.f32.msk $0xffff, v1  }
0x89: {  	v1 =	vld [tilespmem:$0xA0];
	_ =	sdelay $0x4  }
0x8a: {  	v2 =	vld [tilespmem:$0x2A0];
	_ =	sdelay $0x2  }
0x8b: {  	v1 =	vld.idx.msk [tilespmem:v1+s22+$0x0], $0xffff;
	_ =	sdelay $0x4  }
0x8c: {  	[tilespmem:v2+s29+$0x0] =	vst.idx.add.f32.msk $0xffff, v1  }
0x8d: {  	v1 =	vld [tilespmem:$0xB0];
	_ =	sdelay $0x4  }
0x8e: {  	v2 =	vld [tilespmem:$0x2B0];
	_ =	sdelay $0x2  }
0x8f: {  	v1 =	vld.idx.msk [tilespmem:v1+s22+$0x0], $0xffff;
	_ =	sdelay $0x4  }
0x90: {  	[tilespmem:v2+s29+$0x0] =	vst.idx.add.f32.msk $0xffff, v1  }
0x91: {  	v1 =	vld [tilespmem:$0xC0];
	_ =	sdelay $0x4  }
0x92: {  	v2 =	vld [tilespmem:$0x2C0];
	_ =	sdelay $0x2  }
0x93: {  	v1 =	vld.idx.msk [tilespmem:v1+s22+$0x0], $0xffff;
	_ =	sdelay $0x4  }
0x94: {  	[tilespmem:v2+s29+$0x0] =	vst.idx.add.f32.msk $0xffff, v1  }
0x95: {  	v1 =	vld [tilespmem:$0xD0];
	_ =	sdelay $0x4  }
0x96: {  	v2 =	vld [tilespmem:$0x2D0];
	_ =	sdelay $0x2  }
0x97: {  	v1 =	vld.idx.msk [tilespmem:v1+s22+$0x0], $0xffff;
	_ =	sdelay $0x4  }
0x98: {  	[tilespmem:v2+s29+$0x0] =	vst.idx.add.f32.msk $0xffff, v1  }
0x99: {  	v1 =	vld [tilespmem:$0xE0];
	_ =	sdelay $0x4  }
0x9a: {  	v2 =	vld [tilespmem:$0x2E0];
	_ =	sdelay $0x2  }
0x9b: {  	v1 =	vld.idx.msk [tilespmem:v1+s22+$0x0], $0xffff;
	_ =	sdelay $0x4  }
0x9c: {  	[tilespmem:v2+s29+$0x0] =	vst.idx.add.f32.msk $0xffff, v1  }
0x9d: {  	v1 =	vld [tilespmem:$0xF0];
	_ =	sdelay $0x4  }
0x9e: {  	v2 =	vld [tilespmem:$0x2F0];
	_ =	sdelay $0x2  }
0x9f: {  	v1 =	vld.idx.msk [tilespmem:v1+s22+$0x0], $0xffff;
	_ =	sdelay $0x4  }
0xa0: {  	[tilespmem:v2+s29+$0x0] =	vst.idx.add.f32.msk $0xffff, v1  }
0xa1: {  	_ =	swait.ge [sflag:s30], $0x4000  }
0xa2: {  	[sflag:s30] =	ssyncset.done $0x0  }
0xa3: {  	[sflag:s30] =	ssyncadd.s32 $0xFFFFC000  }
0xa4: {  	[spmem:s6] =	stream.indirect.scatter.add.f32 [tilespmem:s23], [sflag:$0x3], $0x80, s31, s28, $0xb8;
	[tilespmem:$0x1CF00] =	vst v63  }
0xa5: {  	_ =	swait.ge [sflag:s24], $0x4000  }
0xa6: {  	[sflag:s24] =	ssyncset.done $0x0  }
0xa7: {  	[sflag:s24] =	ssyncadd.s32 $0xFFFFC000  }
0xa8: {  	[tilespmem:s23], [sflag:$0x1] =	stream.indirect.gather [hbm4b:s0+s28], $0x80, s1, s28, $0xb8;
	[tilespmem:$0x1CF00] =	vst v63  }
0xa9: {  	v1 =	vld [tilespmem:$0x100];
	_ =	sdelay $0x4  }
0xaa: {  	v2 =	vld [tilespmem:$0x300];
	_ =	sdelay $0x2  }
0xab: {  	v1 =	vld.idx.msk [tilespmem:v1+s22+$0x0], $0xffff;
	_ =	sdelay $0x4  }
0xac: {  	[tilespmem:v2+s29+$0x0] =	vst.idx.add.f32.msk $0xffff, v1  }
0xad: {  	v1 =	vld [tilespmem:$0x110];
	_ =	sdelay $0x4  }
0xae: {  	v2 =	vld [tilespmem:$0x310];
	_ =	sdelay $0x2  }
0xaf: {  	v1 =	vld.idx.msk [tilespmem:v1+s22+$0x0], $0xffff;
	_ =	sdelay $0x4  }
0xb0: {  	[tilespmem:v2+s29+$0x0] =	vst.idx.add.f32.msk $0xffff, v1  }
0xb1: {  	v1 =	vld [tilespmem:$0x120];
	_ =	sdelay $0x4  }
0xb2: {  	v2 =	vld [tilespmem:$0x320];
	_ =	sdelay $0x2  }
0xb3: {  	v1 =	vld.idx.msk [tilespmem:v1+s22+$0x0], $0xffff;
	_ =	sdelay $0x4  }
0xb4: {  	[tilespmem:v2+s29+$0x0] =	vst.idx.add.f32.msk $0xffff, v1  }
0xb5: {  	v1 =	vld [tilespmem:$0x130];
	_ =	sdelay $0x4  }
0xb6: {  	v2 =	vld [tilespmem:$0x330];
	_ =	sdelay $0x2  }
0xb7: {  	v1 =	vld.idx.msk [tilespmem:v1+s22+$0x0], $0xffff;
	_ =	sdelay $0x4  }
0xb8: {  	[tilespmem:v2+s29+$0x0] =	vst.idx.add.f32.msk $0xffff, v1  }
0xb9: {  	v1 =	vld [tilespmem:$0x140];
	_ =	sdelay $0x4  }
0xba: {  	v2 =	vld [tilespmem:$0x340];
	_ =	sdelay $0x2  }
0xbb: {  	v1 =	vld.idx.msk [tilespmem:v1+s22+$0x0], $0xffff;
	_ =	sdelay $0x4  }
0xbc: {  	[tilespmem:v2+s29+$0x0] =	vst.idx.add.f32.msk $0xffff, v1  }
0xbd: {  	v1 =	vld [tilespmem:$0x150];
	_ =	sdelay $0x4  }
0xbe: {  	v2 =	vld [tilespmem:$0x350];
	_ =	sdelay $0x2  }
0xbf: {  	v1 =	vld.idx.msk [tilespmem:v1+s22+$0x0], $0xffff;
	_ =	sdelay $0x4  }
0xc0: {  	[tilespmem:v2+s29+$0x0] =	vst.idx.add.f32.msk $0xffff, v1  }
0xc1: {  	v1 =	vld [tilespmem:$0x160];
	_ =	sdelay $0x4  }
0xc2: {  	v2 =	vld [tilespmem:$0x360];
	_ =	sdelay $0x2  }
0xc3: {  	v1 =	vld.idx.msk [tilespmem:v1+s22+$0x0], $0xffff;
	_ =	sdelay $0x4  }
0xc4: {  	[tilespmem:v2+s29+$0x0] =	vst.idx.add.f32.msk $0xffff, v1  }
0xc5: {  	v1 =	vld [tilespmem:$0x170];
	_ =	sdelay $0x4  }
0xc6: {  	v2 =	vld [tilespmem:$0x370];
	_ =	sdelay $0x2  }
0xc7: {  	v1 =	vld.idx.msk [tilespmem:v1+s22+$0x0], $0xffff;
	_ =	sdelay $0x4  }
0xc8: {  	[tilespmem:v2+s29+$0x0] =	vst.idx.add.f32.msk $0xffff, v1  }
0xc9: {  	_ =	swait.ge [sflag:s30], $0x4000  }
0xca: {  	[sflag:s30] =	ssyncset.done $0x0  }
0xcb: {  	[sflag:s30] =	ssyncadd.s32 $0xFFFFC000  }
0xcc: {  	[spmem:s6] =	stream.indirect.scatter.add.f32 [tilespmem:s23], [sflag:$0x3], $0x80, s2, s28, $0xb8;
	[tilespmem:$0x1CF00] =	vst v63  }
0xcd: {  	_ =	swait.ge [sflag:s24], $0x4000  }
0xce: {  	[sflag:s24] =	ssyncset.done $0x0  }
0xcf: {  	[sflag:s24] =	ssyncadd.s32 $0xFFFFC000  }
0xd0: {  	[tilespmem:s23], [sflag:$0x1] =	stream.indirect.gather [hbm4b:s0+s28], $0x80, s5, s28, $0xb8;
	[tilespmem:$0x1CF00] =	vst v63  }
0xd1: {  	v1 =	vld [tilespmem:$0x180];
	_ =	sdelay $0x4  }
0xd2: {  	v2 =	vld [tilespmem:$0x380];
	_ =	sdelay $0x2  }
0xd3: {  	v1 =	vld.idx.msk [tilespmem:v1+s22+$0x0], $0xffff;
	_ =	sdelay $0x4  }
0xd4: {  	[tilespmem:v2+s29+$0x0] =	vst.idx.add.f32.msk $0xffff, v1  }
0xd5: {  	v1 =	vld [tilespmem:$0x190];
	_ =	sdelay $0x4  }
0xd6: {  	v2 =	vld [tilespmem:$0x390];
	_ =	sdelay $0x2  }
0xd7: {  	v1 =	vld.idx.msk [tilespmem:v1+s22+$0x0], $0xffff;
	_ =	sdelay $0x4  }
0xd8: {  	[tilespmem:v2+s29+$0x0] =	vst.idx.add.f32.msk $0xffff, v1  }
0xd9: {  	v1 =	vld [tilespmem:$0x1A0];
	_ =	sdelay $0x4  }
0xda: {  	v2 =	vld [tilespmem:$0x3A0];
	_ =	sdelay $0x2  }
0xdb: {  	v1 =	vld.idx.msk [tilespmem:v1+s22+$0x0], $0xffff;
	_ =	sdelay $0x4  }
0xdc: {  	[tilespmem:v2+s29+$0x0] =	vst.idx.add.f32.msk $0xffff, v1  }
0xdd: {  	v1 =	vld [tilespmem:$0x1B0];
	_ =	sdelay $0x4  }
0xde: {  	v2 =	vld [tilespmem:$0x3B0];
	_ =	sdelay $0x2  }
0xdf: {  	v1 =	vld.idx.msk [tilespmem:v1+s22+$0x0], $0xffff;
	_ =	sdelay $0x4  }
0xe0: {  	[tilespmem:v2+s29+$0x0] =	vst.idx.add.f32.msk $0xffff, v1  }
0xe1: {  	v1 =	vld [tilespmem:$0x1C0];
	_ =	sdelay $0x4  }
0xe2: {  	v2 =	vld [tilespmem:$0x3C0];
	_ =	sdelay $0x2  }
0xe3: {  	v1 =	vld.idx.msk [tilespmem:v1+s22+$0x0], $0xffff;
	_ =	sdelay $0x4  }
0xe4: {  	[tilespmem:v2+s29+$0x0] =	vst.idx.add.f32.msk $0xffff, v1  }
0xe5: {  	v1 =	vld [tilespmem:$0x1D0];
	_ =	sdelay $0x4  }
0xe6: {  	v2 =	vld [tilespmem:$0x3D0];
	_ =	sdelay $0x2  }
0xe7: {  	v1 =	vld.idx.msk [tilespmem:v1+s22+$0x0], $0xffff;
	_ =	sdelay $0x4  }
0xe8: {  	[tilespmem:v2+s29+$0x0] =	vst.idx.add.f32.msk $0xffff, v1  }
0xe9: {  	v1 =	vld [tilespmem:$0x1E0];
	_ =	sdelay $0x4  }
0xea: {  	v2 =	vld [tilespmem:$0x3E0];
	_ =	sdelay $0x2  }
0xeb: {  	v1 =	vld.idx.msk [tilespmem:v1+s22+$0x0], $0xffff;
	_ =	sdelay $0x4  }
0xec: {  	[tilespmem:v2+s29+$0x0] =	vst.idx.add.f32.msk $0xffff, v1  }
0xed: {  	v1 =	vld [tilespmem:$0x1F0];
	_ =	sdelay $0x4  }
0xee: {  	v2 =	vld [tilespmem:$0x3F0];
	_ =	sdelay $0x2  }
0xef: {  	v1 =	vld.idx.msk [tilespmem:v1+s22+$0x0], $0xffff;
	_ =	sdelay $0x4  }
0xf0: {  	[tilespmem:v2+s29+$0x0] =	vst.idx.add.f32.msk $0xffff, v1  }
0xf1: {  	_ =	swait.ge [sflag:s30], $0x4000  }
0xf2: {  	p0 =	sne.s32 s20, $0x1;
	[sflag:s30] =	ssyncset.done $0x0  }
.Ltmp2:
0xf3: {  	[sflag:s30] =	ssyncadd.s32 $0xFFFFC000;
	(pc) =	sbr.rel @p0 .LBB2_6-.Ltmp2, $4  }
0xf4: {  	[spmem:s6] =	stream.indirect.scatter.add.f32 [tilespmem:s23], [sflag:$0x3], $0x80, s13, s28, $0xb8;
	[tilespmem:$0x1CF00] =	vst v63  }
0xf5: {  	_ =	swait.ge [sflag:s24], $0x4000  }
0xf6: {  	[sflag:s24] =	ssyncset.done $0x0  }
0xf7: {  	s21 =	sadd.s32 $0x4000, s21;
	s20 =	sadd.s32 $0xFFFFFFFF, s20;
	[sflag:s24] =	ssyncadd.s32 $0xFFFFC000  }
0xf8: {  	s17 =	stileid.u32  }
0xf9: {  	[bflag:$0x0] =	sbarrier.arrive $0xFFFF;
	s17 =	sshll.u32 s17, $0x6  }
0xfa: {  	s18 =	sshrl.u32 s8, $0x3;
	s20 =	rddreg [dreg:$0x8];
	s17 =	sor.u32 $0x1C03, s17  }
0xfb: {  	[hbm:s20], [sflag:s17] =	dma.local [spmem:s18], $0x800  }
0xfc: {  	_ =	swait.ge [sflag:s24], $0x800  }
0xfd: {  	[sflag:s24] =	ssyncset.done $0x0  }
0xfe: {  	s20 =	sshrl.u32 s9, $0x3;
	s21 =	rddreg [dreg:$0x9];
	[sflag:s24] =	ssyncadd.s32 $0xFFFFF800  }
0xff: {  	[hbm:s21], [sflag:s17] =	dma.local [spmem:s20], $0x800  }
0x100: {  	_ =	swait.ge [sflag:s24], $0x800  }
0x101: {  	[sflag:s24] =	ssyncset.done $0x0  }
0x102: {  	s20 =	sshrl.u32 s10, $0x3;
	s21 =	rddreg [dreg:$0xa];
	[sflag:s24] =	ssyncadd.s32 $0xFFFFF800  }
0x103: {  	[hbm:s21], [sflag:s17] =	dma.local [spmem:s20], $0x800  }
0x104: {  	_ =	swait.ge [sflag:s24], $0x800  }
0x105: {  	[sflag:s24] =	ssyncset.done $0x0  }
0x106: {  	s20 =	sshrl.u32 s11, $0x3;
	s21 =	rddreg [dreg:$0xb];
	[sflag:s24] =	ssyncadd.s32 $0xFFFFF800  }
0x107: {  	[hbm:s21], [sflag:s17] =	dma.local [spmem:s20], $0x800  }
0x108: {  	_ =	swait.ge [sflag:s24], $0x800  }
0x109: {  	[sflag:s24] =	ssyncset.done $0x0  }
0x10a: {  	s20 =	sshrl.u32 s12, $0x3;
	s21 =	rddreg [dreg:$0xc];
	[sflag:s24] =	ssyncadd.s32 $0xFFFFF800  }
0x10b: {  	[hbm:s21], [sflag:s17] =	dma.local [spmem:s20], $0x780  }
0x10c: {  	s14 =	sadd.s32 $0x1, s14;
	_ =	swait.ge [sflag:s24], $0x780  }
0x10d: {  	p0 =	sne.s32 s14, s19;
	[sflag:s24] =	ssyncset.done $0x0  }
.Ltmp3:
0x10e: {  	s21 =	rddreg [dreg:$0xd];
	[sflag:s24] =	ssyncadd.s32 $0xFFFFF880;
	(pc) =	sbr.rel @p0 .LBB2_1-.Ltmp3, $4  }
0x10f: {  	[hbm4b:s21+s28] =	stream.strided.scatter [tilespmem:s29], [sflag:$0x3], $0x2780, s23, s28, $0x38;
	[tilespmem:$0x1CF00] =	vst v63  }
0x110: {  	_ =	swait.ge [sflag:s24], $0x2780  }
0x111: {  	[sflag:s24] =	ssyncset.done $0x0  }
0x112: {  	[sflag:s24] =	ssyncadd.s32 $0xFFFFD880  }
0x113: {  	_ =	sfence.sel $0x180000  }
0x114: {  	[bflag:$0x0] =	sbarrier.arrive $0xFFFF  }
0x115: {  	_ =	strace $0x90000047  }
0x116: {  	s0 =	stileid.u32;
	[bflag:$0x2] =	sbarrier.arrive $0xFFFF  }
0x117: {  	p0 =	sne.s32 s0, $0x0;
	s0 =	rddreg [dreg:$0x7]  }
0x118: {  	s0 =	sadd.s32 @!p0 $0x100000, s0  }
0x119: {  	[sflag:s0] =	ssyncadd.tile.s32 @!p0 $0x1;
	_ =	shalt  }
.Lfunc_end2:
_tile_overlayer_lowered:
.L_overlay_start_2:
0x11a: {  	(tag) =	ssettag $0x2  }
0x11b: {  	s0 =	rddreg [dreg:$0x0];
	s2 =	stileid.u32  }
0x11c: {  	s1 =	rddreg [dreg:$0x1];
	p0 =	sne.s32 s2, $0x0  }
0x11d: {  	s3 =	rddreg [dreg:$0x2];
	[bflag:$0x3] =	sbarrier.arrive $0xFFFF;
	s2 =	simm.s32 @!p0 $0x1C03  }
0x11e: {  	[timem:s3], [sflag:s2] =	dma.local @!p0 [hbm:s0], s1  }
0x11f: {  	s0 =	simm.s32 @!p0 $0x3  }
0x120: {  	_ =	swait.ge @!p0 [sflag:s0], s1  }
0x121: {  	s1 =	ssub.s32 @!p0 $0x0, s1;
	[sflag:s0] =	ssyncset.done @!p0 $0x0  }
0x122: {  	[sflag:s0] =	ssyncadd.s32 @!p0 s1  }
0x123: {  	[bflag:$0x3] =	sbarrier.arrive $0xFFFF  }
0x124: {  	_ =	shalt  }

</sc_bundles>
